<compile_context>
chip_gen: v7x
topology: tpu7x:2x2x1
jax: 0.10.2.dev20260603
libtpu: 0.0.44.dev20260713+nightly
codegen_flags: <defaults>
</compile_context>

<pallas_src>
import functools

import jax
import jax.numpy as jnp
from jax import lax
from jax.experimental import pallas as pl
from jax.experimental.pallas import tpu as pltpu
from jax.experimental.pallas import tpu_sc as plsc

_INPUT_DIM = 768
_NUM_EXPERTS = 64
_BLOCK_T = 4096
_CHUNK = 256
_GRP = 16

_NW = 32
_TOKENS = 32768
_HALF = _TOKENS // 2
_TPW = _HALF // _NW
_GPW = _TPW // _GRP


def _dot(a, bm):
    return jax.lax.dot_general(
        a, bm,
        dimension_numbers=(((1,), (0,)), ((), ())),
        preferred_element_type=jnp.float32,
    )


def _router_block(x0_ref, x1_ref, x2_ref, wt_ref, b_ref, pk_ref):
    w = wt_ref[...]
    logits = (_dot(x0_ref[...], w[0:_CHUNK, :])
              + _dot(x1_ref[...], w[_CHUNK:2 * _CHUNK, :])
              + _dot(x2_ref[...], w[2 * _CHUNK:3 * _CHUNK, :])
              + b_ref[...])
    v1 = jnp.max(logits, axis=1, keepdims=True)
    m1 = logits == v1
    masked = jnp.where(m1, -jnp.inf, logits)
    v2 = jnp.max(masked, axis=1, keepdims=True)
    m2 = masked == v2
    t = jnp.exp(v2 - v1)
    w1 = 1.0 / (1.0 + t)
    w2 = t * w1
    colf = jax.lax.broadcasted_iota(
        jnp.int32, (_NUM_EXPERTS, 1), 0).astype(jnp.float32)
    i1f = _dot(m1.astype(jnp.float32), colf)
    i2f = _dot(m2.astype(jnp.float32), colf)
    g = _BLOCK_T // _GRP
    pk_ref[...] = jnp.concatenate(
        [w1.reshape(g, _GRP), w2.reshape(g, _GRP),
         i1f.reshape(g, _GRP), i2f.reshape(g, _GRP),
         jnp.zeros((g, 64), jnp.float32)], axis=1)


def _router(x, wt, b2, h):
    grid = (_HALF // _BLOCK_T,)
    nb = _HALF // _BLOCK_T
    xspec = lambda j: pl.BlockSpec(
        (_BLOCK_T, _CHUNK), lambda i, j=j, h=h: (i + h * nb, j))
    return pl.pallas_call(
        _router_block,
        grid=grid,
        in_specs=[
            xspec(0),
            xspec(1),
            xspec(2),
            pl.BlockSpec((_INPUT_DIM, _NUM_EXPERTS), lambda i: (0, 0)),
            pl.BlockSpec((1, _NUM_EXPERTS), lambda i: (0, 0)),
        ],
        out_specs=pl.BlockSpec((_BLOCK_T // _GRP, 128), lambda i: (i, 0)),
        out_shape=jax.ShapeDtypeStruct((_HALF // _GRP, 128), jnp.float32),
        compiler_params=pltpu.CompilerParams(
            dimension_semantics=("parallel",),
        ),
    )(x, x, x, wt, b2)


@functools.partial(
    pl.kernel,
    out_type=jax.ShapeDtypeStruct((_HALF, _NUM_EXPERTS), jnp.float32),
    mesh=plsc.VectorSubcoreMesh(core_axis_name="c", subcore_axis_name="s"),
    scratch_types=[
        pltpu.VMEM((_GPW, 128), jnp.float32),
        pltpu.VMEM((_TPW, _NUM_EXPERTS), jnp.float32),
    ],
    compiler_params=pltpu.CompilerParams(needs_layout_passes=False),
)
def _sc_expand(pk_hbm, out_hbm, pk_v, rows_v):
    wid = lax.axis_index("s") * 2 + lax.axis_index("c")
    pltpu.sync_copy(pk_hbm.at[pl.ds(wid * _GPW, _GPW), :], pk_v)
    zvec = jnp.zeros((_GRP,), jnp.float32)
    iota = lax.iota(jnp.int32, 16)

    def zero_body(t, carry):
        rows_v[t, pl.ds(0, 16)] = zvec
        rows_v[t, pl.ds(16, 16)] = zvec
        rows_v[t, pl.ds(32, 16)] = zvec
        rows_v[t, pl.ds(48, 16)] = zvec
        return carry

    lax.fori_loop(0, _TPW, zero_body, 0)

    def scat_body(g, carry):
        w1 = pk_v[g, pl.ds(0, 16)]
        w2 = pk_v[g, pl.ds(16, 16)]
        i1 = pk_v[g, pl.ds(32, 16)].astype(jnp.int32)
        i2 = pk_v[g, pl.ds(48, 16)].astype(jnp.int32)
        row = g * _GRP + iota
        plsc.store_scatter(rows_v, [row, i1], w1)
        plsc.store_scatter(rows_v, [row, i2], w2)
        return carry

    lax.fori_loop(0, _GPW, scat_body, 0)
    pltpu.sync_copy(rows_v, out_hbm.at[pl.ds(wid * _TPW, _TPW), :])


@jax.jit
def kernel(x, W, b):
    wt = W.T
    b2 = b.reshape(1, _NUM_EXPERTS)
    pk0 = _router(x, wt, b2, 0)
    pk1 = _router(x, wt, b2, 1)
    o0 = _sc_expand(pk0)
    o1 = _sc_expand(pk1)
    return jnp.concatenate([o0, o1], axis=0)

# --- scband reference (transcript-rebuilt; emitter-appended) ---
"""Pipeline reference for scband-gating-func-85590108275211 (READ-ONLY COPY).

The authoritative reference and input builder live on the scoring server;
editing this copy changes nothing except your own understanding.
"""

import jax, jax.numpy as jnp
import numpy as np

INPUT_DIM = 768
NUM_EXPERTS = 64
K = 2
TOKENS = 32768


def setup_inputs(seed: int = 0) -> dict:
    key = jax.random.key(seed)
    kx, kw, kb = jax.random.split(key, 3)
    x = jax.random.normal(kx, (TOKENS, INPUT_DIM), dtype=jnp.float32)
    # nn.Linear(input_dim, num_experts): weight [num_experts, input_dim], bias [num_experts]
    bound = 1.0 / np.sqrt(INPUT_DIM)
    W = jax.random.uniform(kw, (NUM_EXPERTS, INPUT_DIM), dtype=jnp.float32, minval=-bound, maxval=bound)
    b = jax.random.uniform(kb, (NUM_EXPERTS,), dtype=jnp.float32, minval=-bound, maxval=bound)
    return {"x": x, "W": W, "b": b}


def reference(x, W, b):
    logits = x @ W.T + b  # [T, E]
    topk_vals, topk_indices = jax.lax.top_k(logits, K)  # [T, K]
    gate_weights = jax.nn.softmax(topk_vals, axis=-1)   # [T, K]
    sparse = jnp.zeros_like(logits)
    rows = jnp.arange(logits.shape[0])[:, None]
    sparse = sparse.at[rows, topk_indices].set(gate_weights)
    return sparse

if __name__ == "__main__":
    import jax
    _d = setup_inputs()
    print(jax.jit(kernel)(*tuple(_d.values())))

</pallas_src>

<mosaic_0001>
#map = affine_map<(d0, d1) -> (0, 0)>
module attributes {stable_mosaic.version = 14 : i64} {
  func.func @_sc_expand(%arg0: i32, %arg1: i32, %arg2: memref<1024x128xf32, #tpu.memory_space<hbm>>, %arg3: memref<16384x64xf32, #tpu.memory_space<hbm>>, %arg4: memref<32x128xf32, #tpu.memory_space<vmem>>, %arg5: memref<512x64xf32, #tpu.memory_space<vmem>>) attributes {dimension_semantics = [#tpu.dimension_semantics<core_parallel>, #tpu.dimension_semantics<subcore_parallel>], iteration_bounds = array<i64: 2, 16>, scalar_prefetch = 0 : i64, scratch_operands = 2 : i64, tpu.core_type = #tpu.core_type<sc_vector_subcore>, window_params = [{transform_indices = #map}, {transform_indices = #map}]} {
    %mul3A = arith.constant 2 : i32
    %mul3A_0 = arith.muli %arg1, %mul3A : i32
    %add3A = arith.addi %mul3A_0, %arg0 : i32
    %mul3A_1 = arith.constant 32 : i32
    %mul3A_2 = arith.muli %add3A, %mul3A_1 : i32
    "tpu.region"() ({
      %run_scoped3A = tpu.sem_alloc : memref<!tpu.dma_semaphore, #tpu.memory_space<semaphore_mem>>
      %dma_start3A = arith.constant 0 : i32
      %dma_start3A_17 = tpu.memref_slice %arg2[%mul3A_2, %dma_start3A] : memref<1024x128xf32, #tpu.memory_space<hbm>> -> memref<32x128xf32, #tpu.memory_space<hbm>>
      %dma_start3A_18 = arith.constant 0 : i32
      %dma_start3A_19 = tpu.memref_slice %arg2[%mul3A_2, %dma_start3A_18] : memref<1024x128xf32, #tpu.memory_space<hbm>> -> memref<32x128xf32, #tpu.memory_space<hbm>>
      tpu.enqueue_dma source(%dma_start3A_19 : memref<32x128xf32, #tpu.memory_space<hbm>>) target(%arg4 : memref<32x128xf32, #tpu.memory_space<vmem>>) target_semaphore(%run_scoped3A : memref<!tpu.dma_semaphore, #tpu.memory_space<semaphore_mem>>)
      %dma_wait3A = arith.constant 0 : i32
      %dma_wait3A_20 = tpu.memref_slice %arg2[%mul3A_2, %dma_wait3A] : memref<1024x128xf32, #tpu.memory_space<hbm>> -> memref<32x128xf32, #tpu.memory_space<hbm>>
      %dma_wait3A_21 = arith.constant 0 : i32
      %dma_wait3A_22 = tpu.memref_slice %arg2[%mul3A_2, %dma_wait3A_21] : memref<1024x128xf32, #tpu.memory_space<hbm>> -> memref<32x128xf32, #tpu.memory_space<hbm>>
      tpu.wait_dma2 semaphore(%run_scoped3A : memref<!tpu.dma_semaphore, #tpu.memory_space<semaphore_mem>>) src(%dma_wait3A_22 : memref<32x128xf32, #tpu.memory_space<hbm>>) dst(%arg4 : memref<32x128xf32, #tpu.memory_space<vmem>>)
      tpu.yield
    }) : () -> ()
    %broadcast_in_dim3A = arith.constant 0.000000e+00 : f32
    %broadcast_in_dim3A_3 = vector.broadcast %broadcast_in_dim3A : f32 to vector<16xf32>
    %iota3A = tpu.iota {dimensions = array<i32: 0>} : vector<16xi32>
    %scan3A = arith.constant 0 : i32
    %scan3A_4 = arith.constant 0 : i32
    %scan3A_5 = arith.constant 512 : i32
    %scan3A_6 = arith.addi %scan3A_4, %scan3A_5 : i32
    %scan3A_7 = arith.constant 1 : i32
    scf.for %scan3A_17 = %scan3A_4 to %scan3A_6 step %scan3A_7  : i32 {
      %swap3A = arith.index_cast %scan3A_17 : i32 to index
      %swap3A_18 = arith.constant 0 : index
      %swap3A_19 = tpu.vector_load %arg5[%swap3A, %swap3A_18] {strides = array<i32>} : memref<512x64xf32, #tpu.memory_space<vmem>>, vector<16xf32>,
      tpu.vector_store %arg5[%swap3A, %swap3A_18], %broadcast_in_dim3A_3 {strides = array<i32>} : memref<512x64xf32, #tpu.memory_space<vmem>>, vector<16xf32>,
      %swap3A_20 = arith.index_cast %scan3A_17 : i32 to index
      %swap3A_21 = arith.constant 16 : index
      %swap3A_22 = tpu.vector_load %arg5[%swap3A_20, %swap3A_21] {strides = array<i32>} : memref<512x64xf32, #tpu.memory_space<vmem>>, vector<16xf32>,
      tpu.vector_store %arg5[%swap3A_20, %swap3A_21], %broadcast_in_dim3A_3 {strides = array<i32>} : memref<512x64xf32, #tpu.memory_space<vmem>>, vector<16xf32>,
      %swap3A_23 = arith.index_cast %scan3A_17 : i32 to index
      %swap3A_24 = arith.constant 32 : index
      %swap3A_25 = tpu.vector_load %arg5[%swap3A_23, %swap3A_24] {strides = array<i32>} : memref<512x64xf32, #tpu.memory_space<vmem>>, vector<16xf32>,
      tpu.vector_store %arg5[%swap3A_23, %swap3A_24], %broadcast_in_dim3A_3 {strides = array<i32>} : memref<512x64xf32, #tpu.memory_space<vmem>>, vector<16xf32>,
      %swap3A_26 = arith.index_cast %scan3A_17 : i32 to index
      %swap3A_27 = arith.constant 48 : index
      %swap3A_28 = tpu.vector_load %arg5[%swap3A_26, %swap3A_27] {strides = array<i32>} : memref<512x64xf32, #tpu.memory_space<vmem>>, vector<16xf32>,
      tpu.vector_store %arg5[%swap3A_26, %swap3A_27], %broadcast_in_dim3A_3 {strides = array<i32>} : memref<512x64xf32, #tpu.memory_space<vmem>>, vector<16xf32>,
    }
    %scan3A_8 = arith.constant 512 : i32
    %scan3A_9 = arith.constant 0 : i32
    %scan3A_10 = arith.constant 0 : i32
    %scan3A_11 = arith.constant 32 : i32
    %scan3A_12 = arith.addi %scan3A_10, %scan3A_11 : i32
    %scan3A_13 = arith.constant 1 : i32
    scf.for %scan3A_17 = %scan3A_10 to %scan3A_12 step %scan3A_13  : i32 {
      %get3A = arith.index_cast %scan3A_17 : i32 to index
      %get3A_18 = arith.constant 0 : index
      %get3A_19 = tpu.vector_load %arg4[%get3A, %get3A_18] {strides = array<i32>} : memref<32x128xf32, #tpu.memory_space<vmem>>, vector<16xf32>,
      %get3A_20 = arith.index_cast %scan3A_17 : i32 to index
      %get3A_21 = arith.constant 16 : index
      %get3A_22 = tpu.vector_load %arg4[%get3A_20, %get3A_21] {strides = array<i32>} : memref<32x128xf32, #tpu.memory_space<vmem>>, vector<16xf32>,
      %get3A_23 = arith.index_cast %scan3A_17 : i32 to index
      %get3A_24 = arith.constant 32 : index
      %get3A_25 = tpu.vector_load %arg4[%get3A_23, %get3A_24] {strides = array<i32>} : memref<32x128xf32, #tpu.memory_space<vmem>>, vector<16xf32>,
      %convert_element_type3A = arith.fptosi %get3A_25 : vector<16xf32> to vector<16xi32>
      %get3A_26 = arith.index_cast %scan3A_17 : i32 to index
      %get3A_27 = arith.constant 48 : index
      %get3A_28 = tpu.vector_load %arg4[%get3A_26, %get3A_27] {strides = array<i32>} : memref<32x128xf32, #tpu.memory_space<vmem>>, vector<16xf32>,
      %convert_element_type3A_29 = arith.fptosi %get3A_28 : vector<16xf32> to vector<16xi32>
      %mul3A_30 = arith.constant 16 : i32
      %mul3A_31 = arith.muli %scan3A_17, %mul3A_30 : i32
      %add3A_32 = vector.broadcast %mul3A_31 : i32 to vector<16xi32>
      %add3A_33 = arith.addi %add3A_32, %iota3A : vector<16xi32>
      tpu.vector_store_idx %arg5[%add3A_33, %convert_element_type3A], %get3A_19 : memref<512x64xf32, #tpu.memory_space<vmem>>[vector<16xi32>, vector<16xi32>], vector<16xf32>,
      tpu.vector_store_idx %arg5[%add3A_33, %convert_element_type3A_29], %get3A_22 : memref<512x64xf32, #tpu.memory_space<vmem>>[vector<16xi32>, vector<16xi32>], vector<16xf32>,
    }
    %scan3A_14 = arith.constant 32 : i32
    %mul3A_15 = arith.constant 512 : i32
    %mul3A_16 = arith.muli %add3A, %mul3A_15 : i32
    "tpu.region"() ({
      %run_scoped3A = tpu.sem_alloc : memref<!tpu.dma_semaphore, #tpu.memory_space<semaphore_mem>>
      %dma_start3A = arith.constant 0 : i32
      %dma_start3A_17 = tpu.memref_slice %arg3[%mul3A_16, %dma_start3A] : memref<16384x64xf32, #tpu.memory_space<hbm>> -> memref<512x64xf32, #tpu.memory_space<hbm>>
      %dma_start3A_18 = arith.constant 0 : i32
      %dma_start3A_19 = tpu.memref_slice %arg3[%mul3A_16, %dma_start3A_18] : memref<16384x64xf32, #tpu.memory_space<hbm>> -> memref<512x64xf32, #tpu.memory_space<hbm>>
      tpu.enqueue_dma source(%arg5 : memref<512x64xf32, #tpu.memory_space<vmem>>) target(%dma_start3A_19 : memref<512x64xf32, #tpu.memory_space<hbm>>) target_semaphore(%run_scoped3A : memref<!tpu.dma_semaphore, #tpu.memory_space<semaphore_mem>>)
      %dma_wait3A = arith.constant 0 : i32
      %dma_wait3A_20 = tpu.memref_slice %arg3[%mul3A_16, %dma_wait3A] : memref<16384x64xf32, #tpu.memory_space<hbm>> -> memref<512x64xf32, #tpu.memory_space<hbm>>
      %dma_wait3A_21 = arith.constant 0 : i32
      %dma_wait3A_22 = tpu.memref_slice %arg3[%mul3A_16, %dma_wait3A_21] : memref<16384x64xf32, #tpu.memory_space<hbm>> -> memref<512x64xf32, #tpu.memory_space<hbm>>
      tpu.wait_dma2 semaphore(%run_scoped3A : memref<!tpu.dma_semaphore, #tpu.memory_space<semaphore_mem>>) src(%arg5 : memref<512x64xf32, #tpu.memory_space<vmem>>) dst(%dma_wait3A_22 : memref<512x64xf32, #tpu.memory_space<hbm>>)
      tpu.yield
    }) : () -> ()
    return
  }
}

#map = affine_map<(d0, d1) -> (0, 0)>
module attributes {stable_mosaic.version = 14 : i64} {
  func.func @_sc_expand(%arg0: i32, %arg1: i32, %arg2: memref<1024x128xf32, #tpu.memory_space<hbm>>, %arg3: memref<16384x64xf32, #tpu.memory_space<hbm>>, %arg4: memref<32x128xf32, #tpu.memory_space<vmem>>, %arg5: memref<512x64xf32, #tpu.memory_space<vmem>>) attributes {dimension_semantics = [#tpu.dimension_semantics<core_parallel>, #tpu.dimension_semantics<subcore_parallel>], iteration_bounds = array<i64: 2, 16>, scalar_prefetch = 0 : i64, scratch_operands = 2 : i64, tpu.core_type = #tpu.core_type<sc_vector_subcore>, window_params = [{transform_indices = #map}, {transform_indices = #map}]} {
    %mul3A = arith.constant 2 : i32
    %mul3A_0 = arith.muli %arg1, %mul3A : i32
    %add3A = arith.addi %mul3A_0, %arg0 : i32
    %mul3A_1 = arith.constant 32 : i32
    %mul3A_2 = arith.muli %add3A, %mul3A_1 : i32
    "tpu.region"() ({
      %run_scoped3A = tpu.sem_alloc : memref<!tpu.dma_semaphore, #tpu.memory_space<semaphore_mem>>
      %dma_start3A = arith.constant 0 : i32
      %dma_start3A_17 = tpu.memref_slice %arg2[%mul3A_2, %dma_start3A] : memref<1024x128xf32, #tpu.memory_space<hbm>> -> memref<32x128xf32, #tpu.memory_space<hbm>>
      %dma_start3A_18 = arith.constant 0 : i32
      %dma_start3A_19 = tpu.memref_slice %arg2[%mul3A_2, %dma_start3A_18] : memref<1024x128xf32, #tpu.memory_space<hbm>> -> memref<32x128xf32, #tpu.memory_space<hbm>>
      tpu.enqueue_dma source(%dma_start3A_19 : memref<32x128xf32, #tpu.memory_space<hbm>>) target(%arg4 : memref<32x128xf32, #tpu.memory_space<vmem>>) target_semaphore(%run_scoped3A : memref<!tpu.dma_semaphore, #tpu.memory_space<semaphore_mem>>)
      %dma_wait3A = arith.constant 0 : i32
      %dma_wait3A_20 = tpu.memref_slice %arg2[%mul3A_2, %dma_wait3A] : memref<1024x128xf32, #tpu.memory_space<hbm>> -> memref<32x128xf32, #tpu.memory_space<hbm>>
      %dma_wait3A_21 = arith.constant 0 : i32
      %dma_wait3A_22 = tpu.memref_slice %arg2[%mul3A_2, %dma_wait3A_21] : memref<1024x128xf32, #tpu.memory_space<hbm>> -> memref<32x128xf32, #tpu.memory_space<hbm>>
      tpu.wait_dma2 semaphore(%run_scoped3A : memref<!tpu.dma_semaphore, #tpu.memory_space<semaphore_mem>>) src(%dma_wait3A_22 : memref<32x128xf32, #tpu.memory_space<hbm>>) dst(%arg4 : memref<32x128xf32, #tpu.memory_space<vmem>>)
      tpu.yield
    }) : () -> ()
    %broadcast_in_dim3A = arith.constant 0.000000e+00 : f32
    %broadcast_in_dim3A_3 = vector.broadcast %broadcast_in_dim3A : f32 to vector<16xf32>
    %iota3A = tpu.iota {dimensions = array<i32: 0>} : vector<16xi32>
    %scan3A = arith.constant 0 : i32
    %scan3A_4 = arith.constant 0 : i32
    %scan3A_5 = arith.constant 512 : i32
    %scan3A_6 = arith.addi %scan3A_4, %scan3A_5 : i32
    %scan3A_7 = arith.constant 1 : i32
    scf.for %scan3A_17 = %scan3A_4 to %scan3A_6 step %scan3A_7  : i32 {
      %swap3A = arith.index_cast %scan3A_17 : i32 to index
      %swap3A_18 = arith.constant 0 : index
      %swap3A_19 = tpu.vector_load %arg5[%swap3A, %swap3A_18] {strides = array<i32>} : memref<512x64xf32, #tpu.memory_space<vmem>>, vector<16xf32>,
      tpu.vector_store %arg5[%swap3A, %swap3A_18], %broadcast_in_dim3A_3 {strides = array<i32>} : memref<512x64xf32, #tpu.memory_space<vmem>>, vector<16xf32>,
      %swap3A_20 = arith.index_cast %scan3A_17 : i32 to index
      %swap3A_21 = arith.constant 16 : index
      %swap3A_22 = tpu.vector_load %arg5[%swap3A_20, %swap3A_21] {strides = array<i32>} : memref<512x64xf32, #tpu.memory_space<vmem>>, vector<16xf32>,
      tpu.vector_store %arg5[%swap3A_20, %swap3A_21], %broadcast_in_dim3A_3 {strides = array<i32>} : memref<512x64xf32, #tpu.memory_space<vmem>>, vector<16xf32>,
      %swap3A_23 = arith.index_cast %scan3A_17 : i32 to index
      %swap3A_24 = arith.constant 32 : index
      %swap3A_25 = tpu.vector_load %arg5[%swap3A_23, %swap3A_24] {strides = array<i32>} : memref<512x64xf32, #tpu.memory_space<vmem>>, vector<16xf32>,
      tpu.vector_store %arg5[%swap3A_23, %swap3A_24], %broadcast_in_dim3A_3 {strides = array<i32>} : memref<512x64xf32, #tpu.memory_space<vmem>>, vector<16xf32>,
      %swap3A_26 = arith.index_cast %scan3A_17 : i32 to index
      %swap3A_27 = arith.constant 48 : index
      %swap3A_28 = tpu.vector_load %arg5[%swap3A_26, %swap3A_27] {strides = array<i32>} : memref<512x64xf32, #tpu.memory_space<vmem>>, vector<16xf32>,
      tpu.vector_store %arg5[%swap3A_26, %swap3A_27], %broadcast_in_dim3A_3 {strides = array<i32>} : memref<512x64xf32, #tpu.memory_space<vmem>>, vector<16xf32>,
    }
    %scan3A_8 = arith.constant 512 : i32
    %scan3A_9 = arith.constant 0 : i32
    %scan3A_10 = arith.constant 0 : i32
    %scan3A_11 = arith.constant 32 : i32
    %scan3A_12 = arith.addi %scan3A_10, %scan3A_11 : i32
    %scan3A_13 = arith.constant 1 : i32
    scf.for %scan3A_17 = %scan3A_10 to %scan3A_12 step %scan3A_13  : i32 {
      %get3A = arith.index_cast %scan3A_17 : i32 to index
      %get3A_18 = arith.constant 0 : index
      %get3A_19 = tpu.vector_load %arg4[%get3A, %get3A_18] {strides = array<i32>} : memref<32x128xf32, #tpu.memory_space<vmem>>, vector<16xf32>,
      %get3A_20 = arith.index_cast %scan3A_17 : i32 to index
      %get3A_21 = arith.constant 16 : index
      %get3A_22 = tpu.vector_load %arg4[%get3A_20, %get3A_21] {strides = array<i32>} : memref<32x128xf32, #tpu.memory_space<vmem>>, vector<16xf32>,
      %get3A_23 = arith.index_cast %scan3A_17 : i32 to index
      %get3A_24 = arith.constant 32 : index
      %get3A_25 = tpu.vector_load %arg4[%get3A_23, %get3A_24] {strides = array<i32>} : memref<32x128xf32, #tpu.memory_space<vmem>>, vector<16xf32>,
      %convert_element_type3A = arith.fptosi %get3A_25 : vector<16xf32> to vector<16xi32>
      %get3A_26 = arith.index_cast %scan3A_17 : i32 to index
      %get3A_27 = arith.constant 48 : index
      %get3A_28 = tpu.vector_load %arg4[%get3A_26, %get3A_27] {strides = array<i32>} : memref<32x128xf32, #tpu.memory_space<vmem>>, vector<16xf32>,
      %convert_element_type3A_29 = arith.fptosi %get3A_28 : vector<16xf32> to vector<16xi32>
      %mul3A_30 = arith.constant 16 : i32
      %mul3A_31 = arith.muli %scan3A_17, %mul3A_30 : i32
      %add3A_32 = vector.broadcast %mul3A_31 : i32 to vector<16xi32>
      %add3A_33 = arith.addi %add3A_32, %iota3A : vector<16xi32>
      tpu.vector_store_idx %arg5[%add3A_33, %convert_element_type3A], %get3A_19 : memref<512x64xf32, #tpu.memory_space<vmem>>[vector<16xi32>, vector<16xi32>], vector<16xf32>,
      tpu.vector_store_idx %arg5[%add3A_33, %convert_element_type3A_29], %get3A_22 : memref<512x64xf32, #tpu.memory_space<vmem>>[vector<16xi32>, vector<16xi32>], vector<16xf32>,
    }
    %scan3A_14 = arith.constant 32 : i32
    %mul3A_15 = arith.constant 512 : i32
    %mul3A_16 = arith.muli %add3A, %mul3A_15 : i32
    "tpu.region"() ({
      %run_scoped3A = tpu.sem_alloc : memref<!tpu.dma_semaphore, #tpu.memory_space<semaphore_mem>>
      %dma_start3A = arith.constant 0 : i32
      %dma_start3A_17 = tpu.memref_slice %arg3[%mul3A_16, %dma_start3A] : memref<16384x64xf32, #tpu.memory_space<hbm>> -> memref<512x64xf32, #tpu.memory_space<hbm>>
      %dma_start3A_18 = arith.constant 0 : i32
      %dma_start3A_19 = tpu.memref_slice %arg3[%mul3A_16, %dma_start3A_18] : memref<16384x64xf32, #tpu.memory_space<hbm>> -> memref<512x64xf32, #tpu.memory_space<hbm>>
      tpu.enqueue_dma source(%arg5 : memref<512x64xf32, #tpu.memory_space<vmem>>) target(%dma_start3A_19 : memref<512x64xf32, #tpu.memory_space<hbm>>) target_semaphore(%run_scoped3A : memref<!tpu.dma_semaphore, #tpu.memory_space<semaphore_mem>>)
      %dma_wait3A = arith.constant 0 : i32
      %dma_wait3A_20 = tpu.memref_slice %arg3[%mul3A_16, %dma_wait3A] : memref<16384x64xf32, #tpu.memory_space<hbm>> -> memref<512x64xf32, #tpu.memory_space<hbm>>
      %dma_wait3A_21 = arith.constant 0 : i32
      %dma_wait3A_22 = tpu.memref_slice %arg3[%mul3A_16, %dma_wait3A_21] : memref<16384x64xf32, #tpu.memory_space<hbm>> -> memref<512x64xf32, #tpu.memory_space<hbm>>
      tpu.wait_dma2 semaphore(%run_scoped3A : memref<!tpu.dma_semaphore, #tpu.memory_space<semaphore_mem>>) src(%arg5 : memref<512x64xf32, #tpu.memory_space<vmem>>) dst(%dma_wait3A_22 : memref<512x64xf32, #tpu.memory_space<hbm>>)
      tpu.yield
    }) : () -> ()
    return
  }
}

module attributes {stable_mosaic.version = 14 : i64} {
  func.func @_router_block(%arg0: i32, %arg1: memref<4096x256xf32, #tpu.memory_space<vmem>>, %arg2: memref<4096x256xf32, #tpu.memory_space<vmem>>, %arg3: memref<4096x256xf32, #tpu.memory_space<vmem>>, %arg4: memref<768x64xf32, #tpu.memory_space<vmem>>, %arg5: memref<1x64xf32, #tpu.memory_space<vmem>>, %arg6: memref<256x128xf32, #tpu.memory_space<vmem>>) attributes {dimension_semantics = [#tpu.dimension_semantics<parallel>], iteration_bounds = array<i64: 4>, scalar_prefetch = 0 : i64, scratch_operands = 0 : i64, tpu.core_type = #tpu.core_type<tc>, window_params = [{transform_indices = @transform_0, window_bounds = array<i64: 4096, 256>}, {transform_indices = @transform_1, window_bounds = array<i64: 4096, 256>}, {transform_indices = @transform_2, window_bounds = array<i64: 4096, 256>}, {pipeline_mode = #tpu.pipeline_mode<synchronous>, transform_indices = @transform_3, window_bounds = array<i64: 768, 64>}, {pipeline_mode = #tpu.pipeline_mode<synchronous>, transform_indices = @transform_4, window_bounds = array<i64: 1, 64>}, {transform_indices = @transform_5, window_bounds = array<i64: 256, 128>}]} {
    %get3A = arith.constant 0 : index
    %get3A_0 = arith.constant 0 : index
    %get3A_1 = vector.load %arg4[%get3A, %get3A_0] : memref<768x64xf32, #tpu.memory_space<vmem>>, vector<768x64xf32>
    %get3A_2 = arith.constant 0 : index
    %get3A_3 = arith.constant 0 : index
    %get3A_4 = vector.load %arg1[%get3A_2, %get3A_3] : memref<4096x256xf32, #tpu.memory_space<vmem>>, vector<4096x256xf32>
    %slice3A = vector.extract_strided_slice %get3A_1 {offsets = [0, 0], sizes = [256, 64], strides = [1, 1]} : vector<768x64xf32> to vector<256x64xf32>
    %dot_general3A = arith.constant dense<0.000000e+00> : vector<4096x64xf32>
    %dot_general3A_5 = tpu.matmul %get3A_4, %slice3A, %dot_general3A {dimension_numbers = #tpu.dot_dimension_numbers<[1], [0], [0], [1], [0, 0, 1, 1], [], []>, transpose_lhs_hint = false} : vector<4096x256xf32>, vector<256x64xf32>, vector<4096x64xf32> -> vector<4096x64xf32>
    %get3A_6 = arith.constant 0 : index
    %get3A_7 = arith.constant 0 : index
    %get3A_8 = vector.load %arg2[%get3A_6, %get3A_7] : memref<4096x256xf32, #tpu.memory_space<vmem>>, vector<4096x256xf32>
    %slice3A_9 = vector.extract_strided_slice %get3A_1 {offsets = [256, 0], sizes = [256, 64], strides = [1, 1]} : vector<768x64xf32> to vector<256x64xf32>
    %dot_general3A_10 = arith.constant dense<0.000000e+00> : vector<4096x64xf32>
    %dot_general3A_11 = tpu.matmul %get3A_8, %slice3A_9, %dot_general3A_10 {dimension_numbers = #tpu.dot_dimension_numbers<[1], [0], [0], [1], [0, 0, 1, 1], [], []>, transpose_lhs_hint = false} : vector<4096x256xf32>, vector<256x64xf32>, vector<4096x64xf32> -> vector<4096x64xf32>
    %add3A = arith.addf %dot_general3A_5, %dot_general3A_11 : vector<4096x64xf32>
    %get3A_12 = arith.constant 0 : index
    %get3A_13 = arith.constant 0 : index
    %get3A_14 = vector.load %arg3[%get3A_12, %get3A_13] : memref<4096x256xf32, #tpu.memory_space<vmem>>, vector<4096x256xf32>
    %slice3A_15 = vector.extract_strided_slice %get3A_1 {offsets = [512, 0], sizes = [256, 64], strides = [1, 1]} : vector<768x64xf32> to vector<256x64xf32>
    %dot_general3A_16 = arith.constant dense<0.000000e+00> : vector<4096x64xf32>
    %dot_general3A_17 = tpu.matmul %get3A_14, %slice3A_15, %dot_general3A_16 {dimension_numbers = #tpu.dot_dimension_numbers<[1], [0], [0], [1], [0, 0, 1, 1], [], []>, transpose_lhs_hint = false} : vector<4096x256xf32>, vector<256x64xf32>, vector<4096x64xf32> -> vector<4096x64xf32>
    %add3A_18 = arith.addf %add3A, %dot_general3A_17 : vector<4096x64xf32>
    %get3A_19 = arith.constant 0 : index
    %get3A_20 = arith.constant 0 : index
    %get3A_21 = vector.load %arg5[%get3A_19, %get3A_20] : memref<1x64xf32, #tpu.memory_space<vmem>>, vector<1x64xf32>
    %add3A_22 = vector.broadcast %get3A_21 : vector<1x64xf32> to vector<4096x64xf32>
    %add3A_23 = arith.addf %add3A_18, %add3A_22 : vector<4096x64xf32>
    %reduce_max3A = arith.constant dense<0xFF800000> : vector<4096xf32>
    %reduce_max3A_24 = vector.multi_reduction <maximumf>, %add3A_23, %reduce_max3A [1] : vector<4096x64xf32> to vector<4096xf32>
    %broadcast_in_dim3A = vector.shape_cast %reduce_max3A_24 : vector<4096xf32> to vector<4096x1xf32>
    %eq3A = vector.broadcast %broadcast_in_dim3A : vector<4096x1xf32> to vector<4096x64xf32>
    %eq3A_25 = arith.cmpf oeq, %add3A_23, %eq3A : vector<4096x64xf32>
    %jit3A = arith.constant 0xFF800000 : f32
    %broadcast_in_dim3A_26 = vector.broadcast %jit3A : f32 to vector<4096x64xf32>
    %select_n3A = arith.select %eq3A_25, %broadcast_in_dim3A_26, %add3A_23 : vector<4096x64xi1>, vector<4096x64xf32>
    %reduce_max3A_27 = arith.constant dense<0xFF800000> : vector<4096xf32>
    %reduce_max3A_28 = vector.multi_reduction <maximumf>, %select_n3A, %reduce_max3A_27 [1] : vector<4096x64xf32> to vector<4096xf32>
    %broadcast_in_dim3A_29 = vector.shape_cast %reduce_max3A_28 : vector<4096xf32> to vector<4096x1xf32>
    %eq3A_30 = vector.broadcast %broadcast_in_dim3A_29 : vector<4096x1xf32> to vector<4096x64xf32>
    %eq3A_31 = arith.cmpf oeq, %select_n3A, %eq3A_30 : vector<4096x64xf32>
    %sub3A = arith.subf %broadcast_in_dim3A_29, %broadcast_in_dim3A : vector<4096x1xf32>
    %exp3A = math.exp %sub3A : vector<4096x1xf32>
    %add3A_32 = arith.constant 1.000000e+00 : f32
    %add3A_33 = vector.broadcast %add3A_32 : f32 to vector<4096x1xf32>
    %add3A_34 = arith.addf %add3A_33, %exp3A : vector<4096x1xf32>
    %div3A = arith.constant 1.000000e+00 : f32
    %div3A_35 = vector.broadcast %div3A : f32 to vector<4096x1xf32>
    %div3A_36 = arith.divf %div3A_35, %add3A_34 : vector<4096x1xf32>
    %mul3A = arith.mulf %exp3A, %div3A_36 : vector<4096x1xf32>
    %iota3A = tpu.iota {dimensions = array<i32: 0>} : vector<64x1xi32>
    %convert_element_type3A = arith.sitofp %iota3A : vector<64x1xi32> to vector<64x1xf32>
    %convert_element_type3A_37 = arith.extui %eq3A_25 : vector<4096x64xi1> to vector<4096x64xi32>
    %convert_element_type3A_38 = arith.sitofp %convert_element_type3A_37 : vector<4096x64xi32> to vector<4096x64xf32>
    %dot_general3A_39 = arith.constant dense<0.000000e+00> : vector<4096x1xf32>
    %dot_general3A_40 = tpu.matmul %convert_element_type3A_38, %convert_element_type3A, %dot_general3A_39 {dimension_numbers = #tpu.dot_dimension_numbers<[1], [0], [0], [1], [0, 0, 1, 1], [], []>, transpose_lhs_hint = false} : vector<4096x64xf32>, vector<64x1xf32>, vector<4096x1xf32> -> vector<4096x1xf32>
    %convert_element_type3A_41 = arith.extui %eq3A_31 : vector<4096x64xi1> to vector<4096x64xi32>
    %convert_element_type3A_42 = arith.sitofp %convert_element_type3A_41 : vector<4096x64xi32> to vector<4096x64xf32>
    %dot_general3A_43 = arith.constant dense<0.000000e+00> : vector<4096x1xf32>
    %dot_general3A_44 = tpu.matmul %convert_element_type3A_42, %convert_element_type3A, %dot_general3A_43 {dimension_numbers = #tpu.dot_dimension_numbers<[1], [0], [0], [1], [0, 0, 1, 1], [], []>, transpose_lhs_hint = false} : vector<4096x64xf32>, vector<64x1xf32>, vector<4096x1xf32> -> vector<4096x1xf32>
    %reshape3A = vector.shape_cast %div3A_36 : vector<4096x1xf32> to vector<256x16xf32>
    %reshape3A_45 = vector.shape_cast %mul3A : vector<4096x1xf32> to vector<256x16xf32>
    %reshape3A_46 = vector.shape_cast %dot_general3A_40 : vector<4096x1xf32> to vector<256x16xf32>
    %reshape3A_47 = vector.shape_cast %dot_general3A_44 : vector<4096x1xf32> to vector<256x16xf32>
    %broadcast_in_dim3A_48 = arith.constant 0.000000e+00 : f32
    %broadcast_in_dim3A_49 = vector.broadcast %broadcast_in_dim3A_48 : f32 to vector<256x64xf32>
    %concatenate3A = tpu.concatenate %reshape3A, %reshape3A_45, %reshape3A_46, %reshape3A_47, %broadcast_in_dim3A_49 in 1 : vector<256x16xf32>, vector<256x16xf32>, vector<256x16xf32>, vector<256x16xf32>, vector<256x64xf32> -> vector<256x128xf32>
    %swap3A = arith.constant 0 : index
    %swap3A_50 = arith.constant 0 : index
    %swap3A_51 = vector.load %arg6[%swap3A, %swap3A_50] : memref<256x128xf32, #tpu.memory_space<vmem>>, vector<256x128xf32>
    tpu.vector_store %arg6[%swap3A, %swap3A_50], %concatenate3A {strides = array<i32>} : memref<256x128xf32, #tpu.memory_space<vmem>>, vector<256x128xf32>,
    return
  }
  func.func @transform_0(%arg0: i32) -> (i32, i32) {
    %add3A = arith.constant 0 : i32
    %add3A_0 = arith.addi %arg0, %add3A : i32
    %c0_i32 = arith.constant 0 : i32
    %c0_i32_1 = arith.constant 0 : i32
    return %add3A_0, %c0_i32 : i32, i32
  }
  func.func @transform_1(%arg0: i32) -> (i32, i32) {
    %add3A = arith.constant 0 : i32
    %add3A_0 = arith.addi %arg0, %add3A : i32
    %c1_i32 = arith.constant 1 : i32
    %c0_i32 = arith.constant 0 : i32
    return %add3A_0, %c1_i32 : i32, i32
  }
  func.func @transform_2(%arg0: i32) -> (i32, i32) {
    %add3A = arith.constant 0 : i32
    %add3A_0 = arith.addi %arg0, %add3A : i32
    %c2_i32 = arith.constant 2 : i32
    %c0_i32 = arith.constant 0 : i32
    return %add3A_0, %c2_i32 : i32, i32
  }
  func.func @transform_3(%arg0: i32) -> (i32, i32) {
    %c0_i32 = arith.constant 0 : i32
    %c0_i32_0 = arith.constant 0 : i32
    %c0_i32_1 = arith.constant 0 : i32
    return %c0_i32, %c0_i32_0 : i32, i32
  }
  func.func @transform_4(%arg0: i32) -> (i32, i32) {
    %c0_i32 = arith.constant 0 : i32
    %c0_i32_0 = arith.constant 0 : i32
    %c0_i32_1 = arith.constant 0 : i32
    return %c0_i32, %c0_i32_0 : i32, i32
  }
  func.func @transform_5(%arg0: i32) -> (i32, i32) {
    %c0_i32 = arith.constant 0 : i32
    %c0_i32_0 = arith.constant 0 : i32
    return %arg0, %c0_i32 : i32, i32
  }
}

module attributes {stable_mosaic.version = 14 : i64} {
  func.func @_router_block(%arg0: i32, %arg1: memref<4096x256xf32, #tpu.memory_space<vmem>>, %arg2: memref<4096x256xf32, #tpu.memory_space<vmem>>, %arg3: memref<4096x256xf32, #tpu.memory_space<vmem>>, %arg4: memref<768x64xf32, #tpu.memory_space<vmem>>, %arg5: memref<1x64xf32, #tpu.memory_space<vmem>>, %arg6: memref<256x128xf32, #tpu.memory_space<vmem>>) attributes {dimension_semantics = [#tpu.dimension_semantics<parallel>], iteration_bounds = array<i64: 4>, scalar_prefetch = 0 : i64, scratch_operands = 0 : i64, tpu.core_type = #tpu.core_type<tc>, window_params = [{transform_indices = @transform_0, window_bounds = array<i64: 4096, 256>}, {transform_indices = @transform_1, window_bounds = array<i64: 4096, 256>}, {transform_indices = @transform_2, window_bounds = array<i64: 4096, 256>}, {pipeline_mode = #tpu.pipeline_mode<synchronous>, transform_indices = @transform_3, window_bounds = array<i64: 768, 64>}, {pipeline_mode = #tpu.pipeline_mode<synchronous>, transform_indices = @transform_4, window_bounds = array<i64: 1, 64>}, {transform_indices = @transform_5, window_bounds = array<i64: 256, 128>}]} {
    %get3A = arith.constant 0 : index
    %get3A_0 = arith.constant 0 : index
    %get3A_1 = vector.load %arg4[%get3A, %get3A_0] : memref<768x64xf32, #tpu.memory_space<vmem>>, vector<768x64xf32>
    %get3A_2 = arith.constant 0 : index
    %get3A_3 = arith.constant 0 : index
    %get3A_4 = vector.load %arg1[%get3A_2, %get3A_3] : memref<4096x256xf32, #tpu.memory_space<vmem>>, vector<4096x256xf32>
    %slice3A = vector.extract_strided_slice %get3A_1 {offsets = [0, 0], sizes = [256, 64], strides = [1, 1]} : vector<768x64xf32> to vector<256x64xf32>
    %dot_general3A = arith.constant dense<0.000000e+00> : vector<4096x64xf32>
    %dot_general3A_5 = tpu.matmul %get3A_4, %slice3A, %dot_general3A {dimension_numbers = #tpu.dot_dimension_numbers<[1], [0], [0], [1], [0, 0, 1, 1], [], []>, transpose_lhs_hint = false} : vector<4096x256xf32>, vector<256x64xf32>, vector<4096x64xf32> -> vector<4096x64xf32>
    %get3A_6 = arith.constant 0 : index
    %get3A_7 = arith.constant 0 : index
    %get3A_8 = vector.load %arg2[%get3A_6, %get3A_7] : memref<4096x256xf32, #tpu.memory_space<vmem>>, vector<4096x256xf32>
    %slice3A_9 = vector.extract_strided_slice %get3A_1 {offsets = [256, 0], sizes = [256, 64], strides = [1, 1]} : vector<768x64xf32> to vector<256x64xf32>
    %dot_general3A_10 = arith.constant dense<0.000000e+00> : vector<4096x64xf32>
    %dot_general3A_11 = tpu.matmul %get3A_8, %slice3A_9, %dot_general3A_10 {dimension_numbers = #tpu.dot_dimension_numbers<[1], [0], [0], [1], [0, 0, 1, 1], [], []>, transpose_lhs_hint = false} : vector<4096x256xf32>, vector<256x64xf32>, vector<4096x64xf32> -> vector<4096x64xf32>
    %add3A = arith.addf %dot_general3A_5, %dot_general3A_11 : vector<4096x64xf32>
    %get3A_12 = arith.constant 0 : index
    %get3A_13 = arith.constant 0 : index
    %get3A_14 = vector.load %arg3[%get3A_12, %get3A_13] : memref<4096x256xf32, #tpu.memory_space<vmem>>, vector<4096x256xf32>
    %slice3A_15 = vector.extract_strided_slice %get3A_1 {offsets = [512, 0], sizes = [256, 64], strides = [1, 1]} : vector<768x64xf32> to vector<256x64xf32>
    %dot_general3A_16 = arith.constant dense<0.000000e+00> : vector<4096x64xf32>
    %dot_general3A_17 = tpu.matmul %get3A_14, %slice3A_15, %dot_general3A_16 {dimension_numbers = #tpu.dot_dimension_numbers<[1], [0], [0], [1], [0, 0, 1, 1], [], []>, transpose_lhs_hint = false} : vector<4096x256xf32>, vector<256x64xf32>, vector<4096x64xf32> -> vector<4096x64xf32>
    %add3A_18 = arith.addf %add3A, %dot_general3A_17 : vector<4096x64xf32>
    %get3A_19 = arith.constant 0 : index
    %get3A_20 = arith.constant 0 : index
    %get3A_21 = vector.load %arg5[%get3A_19, %get3A_20] : memref<1x64xf32, #tpu.memory_space<vmem>>, vector<1x64xf32>
    %add3A_22 = vector.broadcast %get3A_21 : vector<1x64xf32> to vector<4096x64xf32>
    %add3A_23 = arith.addf %add3A_18, %add3A_22 : vector<4096x64xf32>
    %reduce_max3A = arith.constant dense<0xFF800000> : vector<4096xf32>
    %reduce_max3A_24 = vector.multi_reduction <maximumf>, %add3A_23, %reduce_max3A [1] : vector<4096x64xf32> to vector<4096xf32>
    %broadcast_in_dim3A = vector.shape_cast %reduce_max3A_24 : vector<4096xf32> to vector<4096x1xf32>
    %eq3A = vector.broadcast %broadcast_in_dim3A : vector<4096x1xf32> to vector<4096x64xf32>
    %eq3A_25 = arith.cmpf oeq, %add3A_23, %eq3A : vector<4096x64xf32>
    %jit3A = arith.constant 0xFF800000 : f32
    %broadcast_in_dim3A_26 = vector.broadcast %jit3A : f32 to vector<4096x64xf32>
    %select_n3A = arith.select %eq3A_25, %broadcast_in_dim3A_26, %add3A_23 : vector<4096x64xi1>, vector<4096x64xf32>
    %reduce_max3A_27 = arith.constant dense<0xFF800000> : vector<4096xf32>
    %reduce_max3A_28 = vector.multi_reduction <maximumf>, %select_n3A, %reduce_max3A_27 [1] : vector<4096x64xf32> to vector<4096xf32>
    %broadcast_in_dim3A_29 = vector.shape_cast %reduce_max3A_28 : vector<4096xf32> to vector<4096x1xf32>
    %eq3A_30 = vector.broadcast %broadcast_in_dim3A_29 : vector<4096x1xf32> to vector<4096x64xf32>
    %eq3A_31 = arith.cmpf oeq, %select_n3A, %eq3A_30 : vector<4096x64xf32>
    %sub3A = arith.subf %broadcast_in_dim3A_29, %broadcast_in_dim3A : vector<4096x1xf32>
    %exp3A = math.exp %sub3A : vector<4096x1xf32>
    %add3A_32 = arith.constant 1.000000e+00 : f32
    %add3A_33 = vector.broadcast %add3A_32 : f32 to vector<4096x1xf32>
    %add3A_34 = arith.addf %add3A_33, %exp3A : vector<4096x1xf32>
    %div3A = arith.constant 1.000000e+00 : f32
    %div3A_35 = vector.broadcast %div3A : f32 to vector<4096x1xf32>
    %div3A_36 = arith.divf %div3A_35, %add3A_34 : vector<4096x1xf32>
    %mul3A = arith.mulf %exp3A, %div3A_36 : vector<4096x1xf32>
    %iota3A = tpu.iota {dimensions = array<i32: 0>} : vector<64x1xi32>
    %convert_element_type3A = arith.sitofp %iota3A : vector<64x1xi32> to vector<64x1xf32>
    %convert_element_type3A_37 = arith.extui %eq3A_25 : vector<4096x64xi1> to vector<4096x64xi32>
    %convert_element_type3A_38 = arith.sitofp %convert_element_type3A_37 : vector<4096x64xi32> to vector<4096x64xf32>
    %dot_general3A_39 = arith.constant dense<0.000000e+00> : vector<4096x1xf32>
    %dot_general3A_40 = tpu.matmul %convert_element_type3A_38, %convert_element_type3A, %dot_general3A_39 {dimension_numbers = #tpu.dot_dimension_numbers<[1], [0], [0], [1], [0, 0, 1, 1], [], []>, transpose_lhs_hint = false} : vector<4096x64xf32>, vector<64x1xf32>, vector<4096x1xf32> -> vector<4096x1xf32>
    %convert_element_type3A_41 = arith.extui %eq3A_31 : vector<4096x64xi1> to vector<4096x64xi32>
    %convert_element_type3A_42 = arith.sitofp %convert_element_type3A_41 : vector<4096x64xi32> to vector<4096x64xf32>
    %dot_general3A_43 = arith.constant dense<0.000000e+00> : vector<4096x1xf32>
    %dot_general3A_44 = tpu.matmul %convert_element_type3A_42, %convert_element_type3A, %dot_general3A_43 {dimension_numbers = #tpu.dot_dimension_numbers<[1], [0], [0], [1], [0, 0, 1, 1], [], []>, transpose_lhs_hint = false} : vector<4096x64xf32>, vector<64x1xf32>, vector<4096x1xf32> -> vector<4096x1xf32>
    %reshape3A = vector.shape_cast %div3A_36 : vector<4096x1xf32> to vector<256x16xf32>
    %reshape3A_45 = vector.shape_cast %mul3A : vector<4096x1xf32> to vector<256x16xf32>
    %reshape3A_46 = vector.shape_cast %dot_general3A_40 : vector<4096x1xf32> to vector<256x16xf32>
    %reshape3A_47 = vector.shape_cast %dot_general3A_44 : vector<4096x1xf32> to vector<256x16xf32>
    %broadcast_in_dim3A_48 = arith.constant 0.000000e+00 : f32
    %broadcast_in_dim3A_49 = vector.broadcast %broadcast_in_dim3A_48 : f32 to vector<256x64xf32>
    %concatenate3A = tpu.concatenate %reshape3A, %reshape3A_45, %reshape3A_46, %reshape3A_47, %broadcast_in_dim3A_49 in 1 : vector<256x16xf32>, vector<256x16xf32>, vector<256x16xf32>, vector<256x16xf32>, vector<256x64xf32> -> vector<256x128xf32>
    %swap3A = arith.constant 0 : index
    %swap3A_50 = arith.constant 0 : index
    %swap3A_51 = vector.load %arg6[%swap3A, %swap3A_50] : memref<256x128xf32, #tpu.memory_space<vmem>>, vector<256x128xf32>
    tpu.vector_store %arg6[%swap3A, %swap3A_50], %concatenate3A {strides = array<i32>} : memref<256x128xf32, #tpu.memory_space<vmem>>, vector<256x128xf32>,
    return
  }
  func.func @transform_0(%arg0: i32) -> (i32, i32) {
    %add3A = arith.constant 4 : i32
    %add3A_0 = arith.addi %arg0, %add3A : i32
    %c0_i32 = arith.constant 0 : i32
    %c0_i32_1 = arith.constant 0 : i32
    return %add3A_0, %c0_i32 : i32, i32
  }
  func.func @transform_1(%arg0: i32) -> (i32, i32) {
    %add3A = arith.constant 4 : i32
    %add3A_0 = arith.addi %arg0, %add3A : i32
    %c1_i32 = arith.constant 1 : i32
    %c0_i32 = arith.constant 0 : i32
    return %add3A_0, %c1_i32 : i32, i32
  }
  func.func @transform_2(%arg0: i32) -> (i32, i32) {
    %add3A = arith.constant 4 : i32
    %add3A_0 = arith.addi %arg0, %add3A : i32
    %c2_i32 = arith.constant 2 : i32
    %c0_i32 = arith.constant 0 : i32
    return %add3A_0, %c2_i32 : i32, i32
  }
  func.func @transform_3(%arg0: i32) -> (i32, i32) {
    %c0_i32 = arith.constant 0 : i32
    %c0_i32_0 = arith.constant 0 : i32
    %c0_i32_1 = arith.constant 0 : i32
    return %c0_i32, %c0_i32_0 : i32, i32
  }
  func.func @transform_4(%arg0: i32) -> (i32, i32) {
    %c0_i32 = arith.constant 0 : i32
    %c0_i32_0 = arith.constant 0 : i32
    %c0_i32_1 = arith.constant 0 : i32
    return %c0_i32, %c0_i32_0 : i32, i32
  }
  func.func @transform_5(%arg0: i32) -> (i32, i32) {
    %c0_i32 = arith.constant 0 : i32
    %c0_i32_0 = arith.constant 0 : i32
    return %arg0, %c0_i32 : i32, i32
  }
}

</mosaic_0001>

<sc_bundles>
// kernel: kernel.6.cloned.1.call-start
scs
__scs_entry_jumppad:
0x0: {  	(pc) =	sbr.rel $0x88, $3  }
0x1: {  	(tag) =	ssettag $0x0;
	lr =	simm.s32 $0x1  }
0x2: {  	[smem:$0x3F9E] =	sst lr;
	_ =	strace $0xD0000000  }
0x3: {  	_ = 	snop  }
0x4: {  	_ = 	snop  }
0x5: {  	_ = 	snop  }
0x6: {  	_ = 	snop  }
0x7: {  	_ = 	snop  }
__scs_overlays_trampoline_lowered:
0x8: {  	[smem:$0x3FAD] =	sst s0  }
0x9: {  	[smem:$0x3FAE] =	sst s1  }
0xa: {  	[smem:$0x3FAF] =	sst s2  }
0xb: {  	[smem:$0x3FB0] =	sst s3  }
0xc: {  	[smem:$0x3FB1] =	sst s4  }
0xd: {  	[smem:$0x3FB2] =	sst s5  }
0xe: {  	[smem:$0x3FB3] =	sst s6  }
0xf: {  	[smem:$0x3FB4] =	sst s7  }
0x10: {  	[smem:$0x3FB5] =	sst s8  }
0x11: {  	[smem:$0x3FB6] =	sst s9;
	s0 =	simm.s32 @!p0 $0x0  }
0x12: {  	s1 =	sld [smem:$0x3F9C];
	s0 =	simm.s32 @p0 $0x1  }
0x13: {  	[smem:$0x3FB7] =	sst s0;
	s0 =	simm.s32 @!p1 $0x0  }
0x14: {  	s2 =	sld [smem:$0x3F9B];
	s0 =	simm.s32 @p1 $0x1  }
0x15: {  	[smem:$0x3FB8] =	sst s0;
	s0 =	simm.s32 @!p2 $0x0  }
0x16: {  	s3 =	sld [smem:$0x3FDB];
	s0 =	simm.s32 @p2 $0x1  }
0x17: {  	s4 =	simm.s32 $0x1BF5;
	[smem:$0x3FBA] =	sst s0  }
0x18: {  	s0 =	sld [smem:$0x3F9D];
	_ =	swait.ge [sflag:s4], $0x0  }
0x19: {  	s7 =	sld [smem:$0x3F9E]  }
0x1a: {  	s8 =	sadd.s32 $0xFFFFE003, lr  }
0x1b: {  	s9 =	sadd.s32 $0xFFFFFEF7, lr;
	s5 =	simm.s32 $0xFFFFFFFF;
	p2 =	slt.u32 s8, $0xFFFFF086  }
0x1c: {  	p1 =	slt.u32 s9, $0xF7A;
	s5 =	simm.s32 @!p2 $0x0  }
0x1d: {  	s5 =	simm.s32 @p1 $0x1;
	p0 =	seq.s32 s7, s2  }
0x1e: {  	s7 =	smul.u32 @!p0 $0xF7A, s2;
	p2 =	seq.s32 @!p0 s5, $0x0  }
0x1f: {  	s9 =	smul.u32 $0xF7A, s1;
	s8 =	simm.s32 @!p0 $0x1BF5;
	p2 =	por !p2, p0  }
0x20: {  	[sflag:s8] =	ssyncset.s32 @!p0 $0xFFFFF086;
	s6 =	sadd.s32 @!p0 s3, s7;
	s7 =	simm.s32 @!p0 $0x108  }
0x21: {  	s3 =	sadd.s32 s3, s9;
	s6 =	sadd.s32 @!p0 $0x88, s6;
	s7 =	simm.s32 @p2 $0x1082  }
0x22: {  	[simem:s7], [sflag:s8] =	dma.local @!p0 [hbm:s6], $0xF7A  }
0x23: {  	s9 =	sor.u32 $0xD0000000, s2;
	s6 =	simm.s32 $0x108;
	_ =	swait.ge @!p0 [sflag:s8], $0x0  }
0x24: {  	s3 =	sadd.s32 $0x88, s3;
	s6 =	simm.s32 @!p1 $0x1082;
	[sflag:s4] =	ssyncset.s32 $0xFFFFF086  }
0x25: {  	[simem:s6], [sflag:s4] =	dma.local [hbm:s3], $0xF7A  }
0x26: {  	[smem:$0x3F9E] =	sst s1;
	(tag) =	ssettag s2;
	_ =	strace s9  }
0x27: {  	s1 =	sld [smem:$0x3FAE]  }
0x28: {  	s2 =	sld [smem:$0x3FAF]  }
0x29: {  	s4 =	sld [smem:$0x3FB1]  }
0x2a: {  	p0 =	seq.s32 s5, $0x0;
	s5 =	sld [smem:$0x3FB2]  }
0x2b: {  	s6 =	sld [smem:$0x3FB3]  }
0x2c: {  	s7 =	sld [smem:$0x3FB4]  }
0x2d: {  	s3 =	simm.s32 $0x108;
	s8 =	sld [smem:$0x3FB5]  }
0x2e: {  	s3 =	simm.s32 @!p0 $0x1082;
	s9 =	sld [smem:$0x3FB6]  }
0x2f: {  	lr =	sadd.s32 s0, s3;
	s0 =	sld [smem:$0x3FAD]  }
0x30: {  	s3 =	sld [smem:$0x3FB0]  }
0x31: {  	[smem:$0x3FB9] =	sst s10  }
0x32: {  	s10 =	sld [smem:$0x3FB7];
	_ =	sdelay $0x3  }
0x33: {  	p0 =	seq.s32 s10, $0x1;
	s10 =	sld [smem:$0x3FB9];
	_ =	sdelay $0x3  }
0x34: {  	[smem:$0x3FB9] =	sst s10  }
0x35: {  	s10 =	sld [smem:$0x3FB8];
	_ =	sdelay $0x3  }
0x36: {  	p1 =	seq.s32 s10, $0x1;
	s10 =	sld [smem:$0x3FB9];
	_ =	sdelay $0x3  }
0x37: {  	[smem:$0x3FB9] =	sst s10  }
0x38: {  	s10 =	sld [smem:$0x3FBA]  }
0x39: {  	_ = 	snop;
	(pc) =	sbr.ind lr, $3  }
0x3a: {  	_ = 	snop  }
0x3b: {  	_ = 	snop  }
0x3c: {  	p2 =	seq.s32 s10, $0x1;
	s10 =	sld [smem:$0x3FB9]  }
0x3d: {  	_ =	shalt  }
0x3e: {  	_ =	shalt  }
0x3f: {  	_ =	shalt  }
0x40: {  	_ =	shalt  }
0x41: {  	_ =	shalt  }
0x42: {  	_ =	shalt  }
0x43: {  	_ =	shalt  }
0x44: {  	_ =	shalt  }
0x45: {  	_ =	shalt  }
0x46: {  	_ =	shalt  }
0x47: {  	_ =	shalt  }
0x48: {  	_ =	shalt  }
0x49: {  	_ =	shalt  }
0x4a: {  	_ =	shalt  }
0x4b: {  	_ =	shalt  }
0x4c: {  	_ =	shalt  }
0x4d: {  	_ =	shalt  }
0x4e: {  	_ =	shalt  }
0x4f: {  	_ =	shalt  }
0x50: {  	_ =	shalt  }
0x51: {  	_ =	shalt  }
0x52: {  	_ =	shalt  }
0x53: {  	_ =	shalt  }
0x54: {  	_ =	shalt  }
0x55: {  	_ =	shalt  }
0x56: {  	_ =	shalt  }
0x57: {  	_ =	shalt  }
0x58: {  	_ =	shalt  }
0x59: {  	_ =	shalt  }
0x5a: {  	_ =	shalt  }
0x5b: {  	_ =	shalt  }
0x5c: {  	_ =	shalt  }
0x5d: {  	_ =	shalt  }
0x5e: {  	_ =	shalt  }
0x5f: {  	_ =	shalt  }
0x60: {  	_ =	shalt  }
0x61: {  	_ =	shalt  }
0x62: {  	_ =	shalt  }
0x63: {  	_ =	shalt  }
0x64: {  	_ =	shalt  }
0x65: {  	_ =	shalt  }
0x66: {  	_ =	shalt  }
0x67: {  	_ =	shalt  }
0x68: {  	_ =	shalt  }
0x69: {  	_ =	shalt  }
0x6a: {  	_ =	shalt  }
0x6b: {  	_ =	shalt  }
0x6c: {  	_ =	shalt  }
0x6d: {  	_ =	shalt  }
0x6e: {  	_ =	shalt  }
0x6f: {  	_ =	shalt  }
0x70: {  	_ =	shalt  }
0x71: {  	_ =	shalt  }
0x72: {  	_ =	shalt  }
0x73: {  	_ =	shalt  }
0x74: {  	_ =	shalt  }
0x75: {  	_ =	shalt  }
0x76: {  	_ =	shalt  }
0x77: {  	_ =	shalt  }
0x78: {  	_ =	shalt  }
0x79: {  	_ =	shalt  }
0x7a: {  	_ =	shalt  }
0x7b: {  	_ =	shalt  }
0x7c: {  	_ =	shalt  }
0x7d: {  	_ =	shalt  }
0x7e: {  	_ =	shalt  }
0x7f: {  	_ =	shalt  }
0x80: {  	_ =	shalt  }
0x81: {  	_ =	shalt  }
0x82: {  	_ =	shalt  }
0x83: {  	_ =	shalt  }
0x84: {  	_ =	shalt  }
0x85: {  	_ =	shalt  }
0x86: {  	_ =	shalt  }
0x87: {  	_ =	shalt  }
.Lfunc_end0:
.L_simem_size_0:
called_computation_lowered:
.L_overlay_start_0:
0x88: {  	s2 =	sld [smem:$0x3FD9]  }
0x89: {  	s3 =	sld [smem:$0x3FFE];
	_ =	sdelay $0x1  }
0x8a: {  	s1 =	srdreg.scid  }
0x8b: {  	s0 =	sand.u32 $0x1, s1  }
0x8c: {  	s16 =	sshll.u32 s0, $0xA;
	s2 =	sadd.s32 s3, s2  }
0x8d: {  	s2 =	sadd.s32 s2, s16  }
0x8e: {  	[smem:$0x3FC5] =	sst s2  }
0x8f: {  	_ = 	snop  }
0x90: {  	(tm) =	ssettm $0x1  }
0x91: {  	s17 =	sld [smem:$0x3FFB];
	_ =	sdelay $0x3  }
0x92: {  	_ =	strace s17  }
0x93: {  	s2 =	sld [smem:$0x3FFC];
	_ =	sdelay $0x3  }
0x94: {  	_ =	strace s2  }
0x95: {  	s2 =	sld [smem:$0x3FFD];
	_ =	sdelay $0x3  }
0x96: {  	_ =	strace s2  }
0x97: {  	_ =	strace $0x8FFFFFFF  }
0x98: {  	s18 =	sld [smem:$0x3FDB];
	_ =	sdelay $0x1  }
0x99: {  	s19 =	simm.s32 $_scs_section_size  }
0x9a: {  	s4 =	simm.s32 $_size__tile_overlayer_lowered;
	s5 =	simm.s32 $_tile_overlayer_lowered  }
0x9b: {  	s22 =	simm.s32 $0x1BFF;
	s21 =	sshll.u32 s5, $0x1;
	s2 =	sadd.s32 s19, s18  }
0x9c: {  	s6 =	simm.s32 $0x0;
	s20 =	sshll.u32 s4, $0x1;
	s4 =	sadd.s32 s21, s2  }
0x9d: {  	[timem:s6], [sflag:s22] =	dma.local [hbm:s4], s20  }
0x9e: {  	_ =	swait.ge [sflag:s22], s20  }
0x9f: {  	s3 =	ssub.s32 $0x0, s20;
	[sflag:s22] =	ssyncset.done $0x0  }
0xa0: {  	[sflag:s22] =	ssyncadd.s32 s3;
	_ =	sdelay $0x1  }
0xa1: {  	s23 =	simm.s32 $0x1B8B  }
0xa2: {  	_ =	swait.ge [sflag:s23], $0x1  }
0xa3: {  	[sflag:s23] =	ssyncset.done $0x0  }
0xa4: {  	s25 =	simm.s32 $0x1B8E;
	s24 =	sld [smem:$0x3FFE];
	[sflag:s23] =	ssyncadd.s32 $0xFFFFFFFF  }
0xa5: {  	s26 =	simm.s32 $execute0_lowered;
	[smem:$0x3FD2] =	sst s25  }
0xa6: {  	s4 =	sshll.u32 s26, $0x1;
	_ =	strace $0x80000046;
	[dreg:$0x1] =	wrdreg $0xFFFFFFFF  }
0xa7: {  	s28 =	simm.s32 $_size_execute0_lowered;
	s2 =	sadd.s32 s2, s4;
	[dreg:$0x0] =	wrdreg $0x0  }
0xa8: {  	s4 =	sshll.u32 s28, $0x1;
	[dreg:$0x2] =	wrdreg s2  }
0xa9: {  	[dreg:$0x3] =	wrdreg s4  }
0xaa: {  	[dreg:$0x4] =	wrdreg $0xC0  }
0xab: {  	_ =	task [dreg:s6], $0x5FFFF  }
0xac: {  	[dreg:$0x1] =	wrdreg $0xFFFFFFFF  }
0xad: {  	[dreg:$0x0] =	wrdreg $0x60  }
0xae: {  	[dreg:$0x2] =	wrdreg s24  }
0xaf: {  	[dreg:$0x3] =	wrdreg $0x9  }
0xb0: {  	_ =	task.clear_ibuf [dreg:s6], $0x4FFFF;
	_ =	strace $0x90000046  }
0xb1: {  	s29 =	simm.s32 $0x9;
	_ =	strace $0x80000048  }
0xb2: {  	_ =	swait.ge [sflag:s29], $0x1  }
0xb3: {  	[sflag:s29] =	ssyncadd.s32 $0xFFFFFFFF  }
0xb4: {  	_ =	strace $0x90000048  }
0xb5: {  	_ =	sfence  }
0xb6: {  	s30 =	sld [smem:$0x0];
	_ =	sdelay $0x2  }
0xb7: {  	s31 =	sshll.u32 s1, $0xD;
	s1 =	sshrl.u32 s1, $0x2  }
0xb8: {  	s3 =	sand.u32 $0x4000, s31;
	s1 =	sadd.s32 s1, s30  }
0xb9: {  	s0 =	sor.u32 s3, s0;
	s1 =	sshll.u32 s1, $0x11  }
0xba: {  	s0 =	sor.u32 s1, s0  }
0xbb: {  	s0 =	sadd.s32 $0x8F2B, s0  }
0xbc: {  	[sflag:s0] =	ssyncadd.remote.s32 $0x1  }
0xbd: {  	_ =	sfence.sel $0xFFFF  }
0xbe: {  	[dreg:$0x0] =	wrdreg $0xFFFFFFFF;
	(pc) =	sbr.abs _section_cstart, $3  }
0xbf: {  	[dreg:$0x1] =	wrdreg $0xFFFFFFFF  }
0xc0: {  	_ =	task.clear_ibuf [dreg:s6], $0x2FFFF;
	_ =	strace $0x9FFFFFFF  }
0xc1: {  	(tm) =	ssettm $0x7FFFFFFF  }
tec
execute0_lowered:
.L_overlay_start_1:
0x0: {  	(tag) =	ssettag $0x1  }
0x1: {  	s3 =	rddreg [dreg:$0x0]  }
0x2: {  	s0 =	rddreg [dreg:$0x1]  }
0x3: {  	s2 =	simm.s32 $0x0;
	s4 =	srdreg.scid;
	s1 =	stileid.u32  }
0x4: {  	[smem:$0x7FF] =	sst s2;
	s4 =	sand.u32 $0x1, s4;
	s5 =	sshll.u32 s1, $0x1  }
0x5: {  	s8 =	simm.s32 $0x0;
	_ =	strace $0x80000047;
	s5 =	sor.u32 s4, s5  }
0x6: {  	s4 =	ssub.s32 $0x2, s4;
	s6 =	sshll.u32 s5, $0x9;
	s5 =	sshll.u32 s5, $0xD  }
0x7: {  	s7 =	sshrl.u32 s4, $0x1;
	s6 =	sadd.s32 s6, s3;
	s5 =	sadd.s32 s5, s3  }
0x8: {  	v1 =	vlaneseq.u32;
	s7 =	ssub.s32 s4, s7;
	s3 =	sadd.s32 $0xE00, s6;
	s4 =	sadd.s32 $0x4E00, s5  }
0x9: {  	v0 =	vimm.f32 $0.0e+00;
	v1 =	vmul.u32 $0x80, v1;
	s5 =	smax.u32 s7, $0x1;
	s6 =	simm.s32 $0x1;
	s7 =	simm.s32 $0x1000  }
.LBB2_1:
0xa: {  	[tilespmem:s2], [sflag:$0x1] =	stream.linear.gather [hbm4b:s3+s2], $0x1000, $0x38;
	[tilespmem:$0x11000] =	vst v63  }
0xb: {  	_ =	swait.ge [sflag:s6], $0x1000  }
0xc: {  	[sflag:s6] =	ssyncset.done $0x0  }
0xd: {  	s9 =	simm.s32 $0x0;
	[sflag:s6] =	ssyncadd.s32 $0xFFFFF000  }
.LBB2_2:
0xe: {  	p0 =	sne.s32 s9, $0x3FE00  }
.Ltmp0:
0xf: {  	s10 =	sshra.s32 s9, $0x2;
	(pc) =	sbr.rel @p0 .LBB2_2-.Ltmp0, $4  }
0x10: {  	[tilespmem:s10+$0x1000] =	vst v0  }
0x11: {  	[tilespmem:s10+$0x1010] =	vst v0  }
0x12: {  	[tilespmem:s10+$0x1020] =	vst v0  }
0x13: {  	s9 =	sadd.s32 $0x200, s9;
	[tilespmem:s10+$0x1030] =	vst v0  }
0x14: {  	s9 =	simm.s32 $0x20  }
0x15: {  	v3 =	vld [tilespmem:s9+$0x0]  }
0x16: {  	s10 =	simm.s32 $0x0;
	s11 =	simm.s32 $0x10;
	v2 =	vld [tilespmem:s9+$0x10]  }
.LBB2_4:
0x17: {  	p0 =	sne.s32 s11, $0x1F0;
	_ =	sdelay $0x2  }
0x18: {  	v3 =	vtrunc.f32 v3  }
0x19: {  	v4 =	vmov s10;
	s10 =	smov.u32 s11;
	v3 =	vcvt.f32.s32 v3;
	v2 =	vtrunc.f32 v2  }
0x1a: {  	v4 =	vshll.u32 v4, $0x7;
	v2 =	vcvt.f32.s32 v2  }
0x1b: {  	v4 =	vor.u32 v1, v4;
	v5 =	vand.u32 $0xFFFFFF80, v3  }
0x1c: {  	v3 =	vand.u32 $0x7F, v3;
	v5 =	vadd.s32 v4, v5;
	v6 =	vand.u32 $0xFFFFFF80, v2  }
0x1d: {  	v2 =	vand.u32 $0x7F, v2;
	v7 =	vld [tilespmem:s9+$0xFFFFFFE0];
	v3 =	vor.u32 v3, v5;
	v4 =	vadd.s32 v4, v6  }
0x1e: {  	v5 =	vld [tilespmem:s9+$0xFFFFFFF0];
	v2 =	vor.u32 v2, v4;
	_ =	sdelay $0x2  }
.Ltmp1:
0x1f: {  	(pc) =	sbr.rel @p0 .LBB2_4-.Ltmp1, $4  }
0x20: {  	[tilespmem:v3+s7+$0x0] =	vst.idx.msk $0xffff, v7  }
0x21: {  	s9 =	sadd.s32 $0x80, s9;
	[tilespmem:v2+s7+$0x0] =	vst.idx.msk $0xffff, v5  }
0x22: {  	v3 =	vld [tilespmem:s9+$0x0]  }
0x23: {  	s11 =	sadd.s32 $0x10, s11;
	v2 =	vld [tilespmem:s9+$0x10]  }
0x24: {  	_ =	sdelay $0x2  }
0x25: {  	v3 =	vtrunc.f32 v3  }
0x26: {  	v4 =	vmov s10;
	v3 =	vcvt.f32.s32 v3;
	v2 =	vtrunc.f32 v2  }
0x27: {  	v4 =	vshll.u32 v4, $0x7;
	v2 =	vcvt.f32.s32 v2  }
0x28: {  	v4 =	vor.u32 v1, v4;
	v5 =	vand.u32 $0xFFFFFF80, v3  }
0x29: {  	v3 =	vand.u32 $0x7F, v3;
	v5 =	vadd.s32 v4, v5;
	v6 =	vand.u32 $0xFFFFFF80, v2  }
0x2a: {  	v7 =	vld [tilespmem:s9+$0xFFFFFFE0];
	v2 =	vand.u32 $0x7F, v2;
	v3 =	vor.u32 v3, v5;
	v4 =	vadd.s32 v4, v6  }
0x2b: {  	v63 =	vld [tilespmem:s9+$0xFFFFFFF0];
	v2 =	vor.u32 v2, v4;
	_ =	sdelay $0x2  }
0x2c: {  	s8 =	sadd.s32 $0x1, s8  }
0x2d: {  	p0 =	sne.s32 s8, s5;
	[tilespmem:v3+s7+$0x0] =	vst.idx.msk $0xffff, v7  }
.Ltmp2:
0x2e: {  	[tilespmem:v2+s7+$0x0] =	vst.idx.msk $0xffff, v63;
	(pc) =	sbr.rel @p0 .LBB2_1-.Ltmp2, $4  }
0x2f: {  	[hbm4b:s4+s2] =	stream.linear.scatter [tilespmem:s7], [sflag:$0x1], $0x10000, $0x38;
	[tilespmem:$0x11000] =	vst v63  }
0x30: {  	_ =	swait.ge [sflag:s6], $0x10000  }
0x31: {  	[sflag:s6] =	ssyncset.done $0x0  }
0x32: {  	[sflag:s6] =	ssyncadd.s32 $0xFFFF0000  }
0x33: {  	_ =	sfence.sel $0x180000  }
0x34: {  	[bflag:$0x0] =	sbarrier.arrive $0xFFFF  }
0x35: {  	p0 =	sne.s32 s1, $0x0;
	_ =	strace $0x90000047  }
0x36: {  	s0 =	sadd.s32 @!p0 $0x100000, s0;
	[bflag:$0x2] =	sbarrier.arrive $0xFFFF  }
0x37: {  	[sflag:s0] =	ssyncadd.tile.s32 @!p0 $0x1;
	_ =	shalt  }
.Lfunc_end2:
_tile_overlayer_lowered:
.L_overlay_start_2:
0x38: {  	(tag) =	ssettag $0x2  }
0x39: {  	s0 =	rddreg [dreg:$0x0];
	s2 =	stileid.u32  }
0x3a: {  	s1 =	rddreg [dreg:$0x1];
	p0 =	sne.s32 s2, $0x0  }
0x3b: {  	s3 =	rddreg [dreg:$0x2];
	[bflag:$0x3] =	sbarrier.arrive $0xFFFF;
	s2 =	simm.s32 @!p0 $0x1C01  }
0x3c: {  	[timem:s3], [sflag:s2] =	dma.local @!p0 [hbm:s0], s1  }
0x3d: {  	s0 =	simm.s32 @!p0 $0x1  }
0x3e: {  	_ =	swait.ge @!p0 [sflag:s0], s1  }
0x3f: {  	s1 =	ssub.s32 @!p0 $0x0, s1;
	[sflag:s0] =	ssyncset.done @!p0 $0x0  }
0x40: {  	[sflag:s0] =	ssyncadd.s32 @!p0 s1  }
0x41: {  	[bflag:$0x3] =	sbarrier.arrive $0xFFFF  }
0x42: {  	_ =	shalt  }

// kernel: kernel.9.cloned.1.call-start
scs
__scs_entry_jumppad:
0x0: {  	(pc) =	sbr.rel $0x88, $3  }
0x1: {  	(tag) =	ssettag $0x0;
	lr =	simm.s32 $0x1  }
0x2: {  	[smem:$0x3F9E] =	sst lr;
	_ =	strace $0xD0000000  }
0x3: {  	_ = 	snop  }
0x4: {  	_ = 	snop  }
0x5: {  	_ = 	snop  }
0x6: {  	_ = 	snop  }
0x7: {  	_ = 	snop  }
__scs_overlays_trampoline_lowered:
0x8: {  	[smem:$0x3FAD] =	sst s0  }
0x9: {  	[smem:$0x3FAE] =	sst s1  }
0xa: {  	[smem:$0x3FAF] =	sst s2  }
0xb: {  	[smem:$0x3FB0] =	sst s3  }
0xc: {  	[smem:$0x3FB1] =	sst s4  }
0xd: {  	[smem:$0x3FB2] =	sst s5  }
0xe: {  	[smem:$0x3FB3] =	sst s6  }
0xf: {  	[smem:$0x3FB4] =	sst s7  }
0x10: {  	[smem:$0x3FB5] =	sst s8  }
0x11: {  	[smem:$0x3FB6] =	sst s9;
	s0 =	simm.s32 @!p0 $0x0  }
0x12: {  	s1 =	sld [smem:$0x3F9C];
	s0 =	simm.s32 @p0 $0x1  }
0x13: {  	[smem:$0x3FB7] =	sst s0;
	s0 =	simm.s32 @!p1 $0x0  }
0x14: {  	s2 =	sld [smem:$0x3F9B];
	s0 =	simm.s32 @p1 $0x1  }
0x15: {  	[smem:$0x3FB8] =	sst s0;
	s0 =	simm.s32 @!p2 $0x0  }
0x16: {  	s3 =	sld [smem:$0x3FDB];
	s0 =	simm.s32 @p2 $0x1  }
0x17: {  	s4 =	simm.s32 $0x1BF5;
	[smem:$0x3FBA] =	sst s0  }
0x18: {  	s0 =	sld [smem:$0x3F9D];
	_ =	swait.ge [sflag:s4], $0x0  }
0x19: {  	s7 =	sld [smem:$0x3F9E]  }
0x1a: {  	s8 =	sadd.s32 $0xFFFFE003, lr  }
0x1b: {  	s9 =	sadd.s32 $0xFFFFFEF7, lr;
	s5 =	simm.s32 $0xFFFFFFFF;
	p2 =	slt.u32 s8, $0xFFFFF086  }
0x1c: {  	p1 =	slt.u32 s9, $0xF7A;
	s5 =	simm.s32 @!p2 $0x0  }
0x1d: {  	s5 =	simm.s32 @p1 $0x1;
	p0 =	seq.s32 s7, s2  }
0x1e: {  	s7 =	smul.u32 @!p0 $0xF7A, s2;
	p2 =	seq.s32 @!p0 s5, $0x0  }
0x1f: {  	s9 =	smul.u32 $0xF7A, s1;
	s8 =	simm.s32 @!p0 $0x1BF5;
	p2 =	por !p2, p0  }
0x20: {  	[sflag:s8] =	ssyncset.s32 @!p0 $0xFFFFF086;
	s6 =	sadd.s32 @!p0 s3, s7;
	s7 =	simm.s32 @!p0 $0x108  }
0x21: {  	s3 =	sadd.s32 s3, s9;
	s6 =	sadd.s32 @!p0 $0x88, s6;
	s7 =	simm.s32 @p2 $0x1082  }
0x22: {  	[simem:s7], [sflag:s8] =	dma.local @!p0 [hbm:s6], $0xF7A  }
0x23: {  	s9 =	sor.u32 $0xD0000000, s2;
	s6 =	simm.s32 $0x108;
	_ =	swait.ge @!p0 [sflag:s8], $0x0  }
0x24: {  	s3 =	sadd.s32 $0x88, s3;
	s6 =	simm.s32 @!p1 $0x1082;
	[sflag:s4] =	ssyncset.s32 $0xFFFFF086  }
0x25: {  	[simem:s6], [sflag:s4] =	dma.local [hbm:s3], $0xF7A  }
0x26: {  	[smem:$0x3F9E] =	sst s1;
	(tag) =	ssettag s2;
	_ =	strace s9  }
0x27: {  	s1 =	sld [smem:$0x3FAE]  }
0x28: {  	s2 =	sld [smem:$0x3FAF]  }
0x29: {  	s4 =	sld [smem:$0x3FB1]  }
0x2a: {  	p0 =	seq.s32 s5, $0x0;
	s5 =	sld [smem:$0x3FB2]  }
0x2b: {  	s6 =	sld [smem:$0x3FB3]  }
0x2c: {  	s7 =	sld [smem:$0x3FB4]  }
0x2d: {  	s3 =	simm.s32 $0x108;
	s8 =	sld [smem:$0x3FB5]  }
0x2e: {  	s3 =	simm.s32 @!p0 $0x1082;
	s9 =	sld [smem:$0x3FB6]  }
0x2f: {  	lr =	sadd.s32 s0, s3;
	s0 =	sld [smem:$0x3FAD]  }
0x30: {  	s3 =	sld [smem:$0x3FB0]  }
0x31: {  	[smem:$0x3FB9] =	sst s10  }
0x32: {  	s10 =	sld [smem:$0x3FB7];
	_ =	sdelay $0x3  }
0x33: {  	p0 =	seq.s32 s10, $0x1;
	s10 =	sld [smem:$0x3FB9];
	_ =	sdelay $0x3  }
0x34: {  	[smem:$0x3FB9] =	sst s10  }
0x35: {  	s10 =	sld [smem:$0x3FB8];
	_ =	sdelay $0x3  }
0x36: {  	p1 =	seq.s32 s10, $0x1;
	s10 =	sld [smem:$0x3FB9];
	_ =	sdelay $0x3  }
0x37: {  	[smem:$0x3FB9] =	sst s10  }
0x38: {  	s10 =	sld [smem:$0x3FBA]  }
0x39: {  	_ = 	snop;
	(pc) =	sbr.ind lr, $3  }
0x3a: {  	_ = 	snop  }
0x3b: {  	_ = 	snop  }
0x3c: {  	p2 =	seq.s32 s10, $0x1;
	s10 =	sld [smem:$0x3FB9]  }
0x3d: {  	_ =	shalt  }
0x3e: {  	_ =	shalt  }
0x3f: {  	_ =	shalt  }
0x40: {  	_ =	shalt  }
0x41: {  	_ =	shalt  }
0x42: {  	_ =	shalt  }
0x43: {  	_ =	shalt  }
0x44: {  	_ =	shalt  }
0x45: {  	_ =	shalt  }
0x46: {  	_ =	shalt  }
0x47: {  	_ =	shalt  }
0x48: {  	_ =	shalt  }
0x49: {  	_ =	shalt  }
0x4a: {  	_ =	shalt  }
0x4b: {  	_ =	shalt  }
0x4c: {  	_ =	shalt  }
0x4d: {  	_ =	shalt  }
0x4e: {  	_ =	shalt  }
0x4f: {  	_ =	shalt  }
0x50: {  	_ =	shalt  }
0x51: {  	_ =	shalt  }
0x52: {  	_ =	shalt  }
0x53: {  	_ =	shalt  }
0x54: {  	_ =	shalt  }
0x55: {  	_ =	shalt  }
0x56: {  	_ =	shalt  }
0x57: {  	_ =	shalt  }
0x58: {  	_ =	shalt  }
0x59: {  	_ =	shalt  }
0x5a: {  	_ =	shalt  }
0x5b: {  	_ =	shalt  }
0x5c: {  	_ =	shalt  }
0x5d: {  	_ =	shalt  }
0x5e: {  	_ =	shalt  }
0x5f: {  	_ =	shalt  }
0x60: {  	_ =	shalt  }
0x61: {  	_ =	shalt  }
0x62: {  	_ =	shalt  }
0x63: {  	_ =	shalt  }
0x64: {  	_ =	shalt  }
0x65: {  	_ =	shalt  }
0x66: {  	_ =	shalt  }
0x67: {  	_ =	shalt  }
0x68: {  	_ =	shalt  }
0x69: {  	_ =	shalt  }
0x6a: {  	_ =	shalt  }
0x6b: {  	_ =	shalt  }
0x6c: {  	_ =	shalt  }
0x6d: {  	_ =	shalt  }
0x6e: {  	_ =	shalt  }
0x6f: {  	_ =	shalt  }
0x70: {  	_ =	shalt  }
0x71: {  	_ =	shalt  }
0x72: {  	_ =	shalt  }
0x73: {  	_ =	shalt  }
0x74: {  	_ =	shalt  }
0x75: {  	_ =	shalt  }
0x76: {  	_ =	shalt  }
0x77: {  	_ =	shalt  }
0x78: {  	_ =	shalt  }
0x79: {  	_ =	shalt  }
0x7a: {  	_ =	shalt  }
0x7b: {  	_ =	shalt  }
0x7c: {  	_ =	shalt  }
0x7d: {  	_ =	shalt  }
0x7e: {  	_ =	shalt  }
0x7f: {  	_ =	shalt  }
0x80: {  	_ =	shalt  }
0x81: {  	_ =	shalt  }
0x82: {  	_ =	shalt  }
0x83: {  	_ =	shalt  }
0x84: {  	_ =	shalt  }
0x85: {  	_ =	shalt  }
0x86: {  	_ =	shalt  }
0x87: {  	_ =	shalt  }
.Lfunc_end0:
.L_simem_size_0:
called_computation.1_lowered:
.L_overlay_start_0:
0x88: {  	s2 =	sld [smem:$0x3FD9]  }
0x89: {  	s3 =	sld [smem:$0x3FFE];
	_ =	sdelay $0x1  }
0x8a: {  	s1 =	srdreg.scid  }
0x8b: {  	s0 =	sand.u32 $0x1, s1  }
0x8c: {  	s17 =	sshll.u32 s0, $0xA;
	s2 =	sadd.s32 s3, s2  }
0x8d: {  	s2 =	sadd.s32 s2, s17  }
0x8e: {  	[smem:$0x3FC5] =	sst s2  }
0x8f: {  	_ = 	snop  }
0x90: {  	s18 =	sld [smem:$0x3FD0];
	(tm) =	ssettm $0x1  }
0x91: {  	s19 =	sld [smem:$0x3FFB];
	_ =	sdelay $0x3  }
0x92: {  	_ =	strace s19  }
0x93: {  	s2 =	sld [smem:$0x3FFC];
	_ =	sdelay $0x3  }
0x94: {  	_ =	strace s2  }
0x95: {  	s2 =	sld [smem:$0x3FFD];
	_ =	sdelay $0x3  }
0x96: {  	_ =	strace s2  }
0x97: {  	_ =	strace $0x8FFFFFFF  }
0x98: {  	s20 =	sld [smem:$0x3FDB];
	_ =	sdelay $0x1  }
0x99: {  	s4 =	simm.s32 $_scs_section_size  }
0x9a: {  	s5 =	simm.s32 $_size__tile_overlayer_lowered;
	s6 =	simm.s32 $_tile_overlayer_lowered  }
0x9b: {  	s7 =	simm.s32 $0x1BFF;
	s21 =	sshll.u32 s6, $0x1;
	s4 =	sadd.s32 s4, s20  }
0x9c: {  	s22 =	simm.s32 $0x0;
	s5 =	sshll.u32 s5, $0x1;
	s6 =	sadd.s32 s21, s4  }
0x9d: {  	[timem:s22], [sflag:s7] =	dma.local [hbm:s6], s5  }
0x9e: {  	_ =	swait.ge [sflag:s7], s5  }
0x9f: {  	s5 =	ssub.s32 $0x0, s5;
	[sflag:s7] =	ssyncset.done $0x0  }
0xa0: {  	[sflag:s7] =	ssyncadd.s32 s5;
	_ =	sdelay $0x1  }
0xa1: {  	s23 =	simm.s32 $0x1B8B  }
0xa2: {  	_ =	swait.ge [sflag:s23], $0x1  }
0xa3: {  	[sflag:s23] =	ssyncset.done $0x0  }
0xa4: {  	[sflag:s23] =	ssyncadd.s32 $0xFFFFFFFF  }
0xa5: {  	s5 =	sld [smem:$0x0]  }
0xa6: {  	s6 =	sand.u32 $0xFFFFFFFE, s1  }
0xa7: {  	p0 =	sne.s32 s1, s6  }
0xa8: {  	s6 =	sshll.u32 @p0 s6, $0xE  }
0xa9: {  	s6 =	sadd.s32 @p0 $0x11B8D, s6;
	s7 =	sshll.u32 @p0 s5, $0x11  }
0xaa: {  	s6 =	sor.u32 @p0 s7, s6  }
0xab: {  	[sflag:s6] =	ssyncadd.remote.s32 @p0 $0x1;
	_ =	sdelay $0x1  }
0xac: {  	s6 =	simm.s32 @p0 $0x1B8D  }
0xad: {  	_ =	swait.eq @p0 [sflag:s6], $0x1  }
0xae: {  	[sflag:s6] =	ssyncadd.s32 @p0 $0xFFFFFFFF  }
0xaf: {  	s7 =	sshll.u32 @!p0 s1, $0xE  }
0xb0: {  	s7 =	sor.u32 @!p0 $0x4000, s7;
	s6 =	simm.s32 @!p0 $0x1B8D  }
0xb1: {  	s5 =	sshll.u32 @!p0 s5, $0x11;
	s7 =	sadd.s32 @!p0 $0x11B8D, s7;
	_ =	swait.eq @!p0 [sflag:s6], $0x1  }
0xb2: {  	s5 =	sor.u32 @!p0 s5, s7;
	[sflag:s6] =	ssyncadd.s32 @!p0 $0xFFFFFFFF  }
0xb3: {  	s25 =	simm.s32 $0x1B8E;
	s24 =	sld [smem:$0x3FFE];
	[sflag:s5] =	ssyncadd.remote.s32 @!p0 $0x1  }
0xb4: {  	s26 =	simm.s32 $execute0_lowered;
	[smem:$0x3FD2] =	sst s25  }
0xb5: {  	s6 =	sshll.u32 s26, $0x1;
	_ =	strace $0x80000049;
	[dreg:$0x1] =	wrdreg $0xFFFFFFFF  }
0xb6: {  	s28 =	simm.s32 $_size_execute0_lowered;
	s4 =	sadd.s32 s4, s6;
	[dreg:$0x0] =	wrdreg $0x0  }
0xb7: {  	s6 =	sshll.u32 s28, $0x1;
	[dreg:$0x2] =	wrdreg s4  }
0xb8: {  	[dreg:$0x3] =	wrdreg s6  }
0xb9: {  	[dreg:$0x4] =	wrdreg $0xC0  }
0xba: {  	_ =	task [dreg:s22], $0x5FFFF  }
0xbb: {  	[dreg:$0x1] =	wrdreg $0xFFFFFFFF  }
0xbc: {  	[dreg:$0x0] =	wrdreg $0x60  }
0xbd: {  	[dreg:$0x2] =	wrdreg s24  }
0xbe: {  	[dreg:$0x3] =	wrdreg s18  }
0xbf: {  	[dreg:$0x4] =	wrdreg $0xA  }
0xc0: {  	_ =	task.clear_ibuf [dreg:s22], $0x5FFFF;
	_ =	strace $0x90000049  }
0xc1: {  	s29 =	simm.s32 $0xA;
	_ =	strace $0x8000004B  }
0xc2: {  	_ =	swait.ge [sflag:s29], $0x1  }
0xc3: {  	[sflag:s29] =	ssyncadd.s32 $0xFFFFFFFF  }
0xc4: {  	_ =	strace $0x9000004B  }
0xc5: {  	_ =	sfence  }
0xc6: {  	s30 =	sld [smem:$0x0];
	_ =	sdelay $0x2  }
0xc7: {  	s31 =	sshll.u32 s1, $0xD;
	s1 =	sshrl.u32 s1, $0x2  }
0xc8: {  	s4 =	sand.u32 $0x4000, s31;
	s1 =	sadd.s32 s1, s30  }
0xc9: {  	s0 =	sor.u32 s4, s0;
	s1 =	sshll.u32 s1, $0x11  }
0xca: {  	s0 =	sor.u32 s1, s0  }
0xcb: {  	s0 =	sadd.s32 $0x8F2B, s0  }
0xcc: {  	[sflag:s0] =	ssyncadd.remote.s32 $0x1  }
0xcd: {  	_ =	sfence.sel $0xFFFF  }
0xce: {  	[dreg:$0x0] =	wrdreg $0xFFFFFFFF;
	(pc) =	sbr.abs _section_cstart, $3  }
0xcf: {  	[dreg:$0x1] =	wrdreg $0xFFFFFFFF  }
0xd0: {  	_ =	task.clear_ibuf [dreg:s22], $0x2FFFF;
	_ =	strace $0x9FFFFFFF  }
0xd1: {  	(tm) =	ssettm $0x7FFFFFFF  }
tec
execute0_lowered:
.L_overlay_start_1:
0x0: {  	(tag) =	ssettag $0x1  }
0x1: {  	s3 =	rddreg [dreg:$0x0]  }
0x2: {  	s4 =	rddreg [dreg:$0x1]  }
0x3: {  	s0 =	rddreg [dreg:$0x2]  }
0x4: {  	s5 =	srdreg.scid;
	s1 =	stileid.u32  }
0x5: {  	s2 =	simm.s32 $0x0;
	s5 =	sand.u32 $0x1, s5;
	s6 =	sshll.u32 s1, $0x1  }
0x6: {  	[smem:$0x7FF] =	sst s2;
	s6 =	sor.u32 s5, s6;
	s5 =	ssub.s32 $0x2, s5  }
0x7: {  	_ =	strace $0x8000004A;
	s7 =	sshll.u32 s6, $0x9;
	s8 =	sshrl.u32 s5, $0x1  }
0x8: {  	s6 =	sshll.u32 s6, $0xD;
	s3 =	sadd.s32 s7, s3;
	s5 =	ssub.s32 s5, s8  }
0x9: {  	v1 =	vlaneseq.u32;
	s4 =	sadd.s32 s4, s6;
	s6 =	simm.s32 $0x1;
	s7 =	simm.s32 $0x1000  }
0xa: {  	v0 =	vimm.f32 $0.0e+00;
	v1 =	vmul.u32 $0x80, v1;
	s8 =	simm.s32 $0x0;
	s3 =	sadd.s32 $0x44E00, s3;
	s5 =	smax.u32 s5, $0x1  }
.LBB2_1:
0xb: {  	[tilespmem:s2], [sflag:$0x1] =	stream.linear.gather [hbm4b:s3+s2], $0x1000, $0x38;
	[tilespmem:$0x11000] =	vst v63  }
0xc: {  	_ =	swait.ge [sflag:s6], $0x1000  }
0xd: {  	[sflag:s6] =	ssyncset.done $0x0  }
0xe: {  	s9 =	simm.s32 $0x0;
	[sflag:s6] =	ssyncadd.s32 $0xFFFFF000  }
.LBB2_2:
0xf: {  	p0 =	sne.s32 s9, $0x3FE00  }
.Ltmp0:
0x10: {  	s10 =	sshra.s32 s9, $0x2;
	(pc) =	sbr.rel @p0 .LBB2_2-.Ltmp0, $4  }
0x11: {  	[tilespmem:s10+$0x1000] =	vst v0  }
0x12: {  	[tilespmem:s10+$0x1010] =	vst v0  }
0x13: {  	[tilespmem:s10+$0x1020] =	vst v0  }
0x14: {  	s9 =	sadd.s32 $0x200, s9;
	[tilespmem:s10+$0x1030] =	vst v0  }
0x15: {  	s9 =	simm.s32 $0x20  }
0x16: {  	v3 =	vld [tilespmem:s9+$0x0]  }
0x17: {  	s10 =	simm.s32 $0x0;
	s11 =	simm.s32 $0x10;
	v2 =	vld [tilespmem:s9+$0x10]  }
.LBB2_4:
0x18: {  	p0 =	sne.s32 s11, $0x1F0;
	_ =	sdelay $0x2  }
0x19: {  	v3 =	vtrunc.f32 v3  }
0x1a: {  	v4 =	vmov s10;
	s10 =	smov.u32 s11;
	v3 =	vcvt.f32.s32 v3;
	v2 =	vtrunc.f32 v2  }
0x1b: {  	v4 =	vshll.u32 v4, $0x7;
	v2 =	vcvt.f32.s32 v2  }
0x1c: {  	v4 =	vor.u32 v1, v4;
	v5 =	vand.u32 $0xFFFFFF80, v3  }
0x1d: {  	v3 =	vand.u32 $0x7F, v3;
	v5 =	vadd.s32 v4, v5;
	v6 =	vand.u32 $0xFFFFFF80, v2  }
0x1e: {  	v2 =	vand.u32 $0x7F, v2;
	v7 =	vld [tilespmem:s9+$0xFFFFFFE0];
	v3 =	vor.u32 v3, v5;
	v4 =	vadd.s32 v4, v6  }
0x1f: {  	v5 =	vld [tilespmem:s9+$0xFFFFFFF0];
	v2 =	vor.u32 v2, v4;
	_ =	sdelay $0x2  }
.Ltmp1:
0x20: {  	(pc) =	sbr.rel @p0 .LBB2_4-.Ltmp1, $4  }
0x21: {  	[tilespmem:v3+s7+$0x0] =	vst.idx.msk $0xffff, v7  }
0x22: {  	s9 =	sadd.s32 $0x80, s9;
	[tilespmem:v2+s7+$0x0] =	vst.idx.msk $0xffff, v5  }
0x23: {  	v3 =	vld [tilespmem:s9+$0x0]  }
0x24: {  	s11 =	sadd.s32 $0x10, s11;
	v2 =	vld [tilespmem:s9+$0x10]  }
0x25: {  	_ =	sdelay $0x2  }
0x26: {  	v3 =	vtrunc.f32 v3  }
0x27: {  	v4 =	vmov s10;
	v3 =	vcvt.f32.s32 v3;
	v2 =	vtrunc.f32 v2  }
0x28: {  	v4 =	vshll.u32 v4, $0x7;
	v2 =	vcvt.f32.s32 v2  }
0x29: {  	v4 =	vor.u32 v1, v4;
	v5 =	vand.u32 $0xFFFFFF80, v3  }
0x2a: {  	v3 =	vand.u32 $0x7F, v3;
	v5 =	vadd.s32 v4, v5;
	v6 =	vand.u32 $0xFFFFFF80, v2  }
0x2b: {  	v7 =	vld [tilespmem:s9+$0xFFFFFFE0];
	v2 =	vand.u32 $0x7F, v2;
	v3 =	vor.u32 v3, v5;
	v4 =	vadd.s32 v4, v6  }
0x2c: {  	v63 =	vld [tilespmem:s9+$0xFFFFFFF0];
	v2 =	vor.u32 v2, v4;
	_ =	sdelay $0x2  }
0x2d: {  	s8 =	sadd.s32 $0x1, s8  }
0x2e: {  	p0 =	sne.s32 s8, s5;
	[tilespmem:v3+s7+$0x0] =	vst.idx.msk $0xffff, v7  }
.Ltmp2:
0x2f: {  	[tilespmem:v2+s7+$0x0] =	vst.idx.msk $0xffff, v63;
	(pc) =	sbr.rel @p0 .LBB2_1-.Ltmp2, $4  }
0x30: {  	[hbm4b:s4+s2] =	stream.linear.scatter [tilespmem:s7], [sflag:$0x1], $0x10000, $0x38;
	[tilespmem:$0x11000] =	vst v63  }
0x31: {  	_ =	swait.ge [sflag:s6], $0x10000  }
0x32: {  	[sflag:s6] =	ssyncset.done $0x0  }
0x33: {  	[sflag:s6] =	ssyncadd.s32 $0xFFFF0000  }
0x34: {  	_ =	sfence.sel $0x180000  }
0x35: {  	[bflag:$0x0] =	sbarrier.arrive $0xFFFF  }
0x36: {  	p0 =	sne.s32 s1, $0x0;
	_ =	strace $0x9000004A  }
0x37: {  	s0 =	sadd.s32 @!p0 $0x100000, s0;
	[bflag:$0x2] =	sbarrier.arrive $0xFFFF  }
0x38: {  	[sflag:s0] =	ssyncadd.tile.s32 @!p0 $0x1;
	_ =	shalt  }
.Lfunc_end2:
_tile_overlayer_lowered:
.L_overlay_start_2:
0x39: {  	(tag) =	ssettag $0x2  }
0x3a: {  	s0 =	rddreg [dreg:$0x0];
	s2 =	stileid.u32  }
0x3b: {  	s1 =	rddreg [dreg:$0x1];
	p0 =	sne.s32 s2, $0x0  }
0x3c: {  	s3 =	rddreg [dreg:$0x2];
	[bflag:$0x3] =	sbarrier.arrive $0xFFFF;
	s2 =	simm.s32 @!p0 $0x1C01  }
0x3d: {  	[timem:s3], [sflag:s2] =	dma.local @!p0 [hbm:s0], s1  }
0x3e: {  	s0 =	simm.s32 @!p0 $0x1  }
0x3f: {  	_ =	swait.ge @!p0 [sflag:s0], s1  }
0x40: {  	s1 =	ssub.s32 @!p0 $0x0, s1;
	[sflag:s0] =	ssyncset.done @!p0 $0x0  }
0x41: {  	[sflag:s0] =	ssyncadd.s32 @!p0 s1  }
0x42: {  	[bflag:$0x3] =	sbarrier.arrive $0xFFFF  }
0x43: {  	_ =	shalt  }

</sc_bundles>
